<compile_context>
chip_gen: v7x
topology: tpu7x:2x2x1
jax: 0.10.2.dev20260603
libtpu: 0.0.44.dev20260713+nightly
codegen_flags: <defaults>
</compile_context>

<pallas_src>
import functools

import numpy as np

import jax
import jax.numpy as jnp
from jax import lax
from jax.experimental import pallas as pl
from jax.experimental.pallas import tpu as pltpu
from jax.experimental.pallas import tpu_sc as plsc

_N_TOK = 8192
_D = 2048
_MW = 8
_NC = 8
_C = _MW * _NC
_BT = 1024
_NBLK = _N_TOK // _BT

_const_cache = []


def _consts():
    if not _const_cache:
        g = jax.random.gumbel(jax.random.key(42), (_N_TOK * _MW, _NC), jnp.float32)
        noise_t = g.reshape(_N_TOK, _C).T
        _const_cache.append((jax.device_put(noise_t),
                             jnp.eye(_C, dtype=jnp.float32)))
    return _const_cache[0]


def _enc_body(x_ref, we_ref, be_ref, nt_ref, eye_ref, logits_ref, y_ref):
    lgT = jax.lax.dot_general(we_ref[...], x_ref[...], (((0,), (1,)), ((), ())),
                              preferred_element_type=jnp.float32) + be_ref[...]
    logits_ref[...] = jax.lax.dot_general(lgT, eye_ref[...],
                                          (((0,), (0,)), ((), ())),
                                          preferred_element_type=jnp.float32)
    y_ref[...] = lgT + nt_ref[...]


def _dec_body(zt_ref, eye_ref, wd_ref, bd_ref, z_ref, recon_ref):
    cdim = (((0,), (0,)), ((), ()))
    zT = zt_ref[...]
    z_ref[...] = jax.lax.dot_general(zT, eye_ref[...], cdim,
                                     preferred_element_type=jnp.float32)
    recon_ref[...] = jax.lax.dot_general(zT, wd_ref[...], cdim,
                                         preferred_element_type=jnp.float32) + bd_ref[...]


def _sc_sample(yT):
    info = plsc.get_sparse_core_info()
    nw = info.num_cores * info.num_subcores
    tpw = _N_TOK // nw
    nchunk = tpw // 16
    mesh = plsc.VectorSubcoreMesh(core_axis_name="c", subcore_axis_name="s")

    @functools.partial(
        pl.kernel, mesh=mesh,
        out_type=jax.ShapeDtypeStruct((_C, _N_TOK), jnp.float32),
        scratch_types=[
            pltpu.VMEM((_C, tpw), jnp.float32),
            pltpu.VMEM((_C, tpw), jnp.float32),
        ],
    )
    def k(y_hbm, z_hbm, y_v, z_v):
        wid = lax.axis_index("s") * info.num_cores + lax.axis_index("c")
        base = wid * tpw
        pltpu.sync_copy(y_hbm.at[:, pl.ds(base, tpw)], y_v)

        def chunk(t, _):
            sl = pl.ds(t * 16, 16)
            one = jnp.full((16,), 1.0, jnp.float32)
            zero = jnp.full((16,), 0.0, jnp.float32)
            for g in range(_MW):
                m = y_v[g * _NC, sl]
                for j in range(1, _NC):
                    m = jnp.maximum(m, y_v[g * _NC + j, sl])
                taken = zero
                for j in range(_NC):
                    v = y_v[g * _NC + j, sl]
                    hit = jnp.where(v == m, one, zero)
                    gate = jnp.where(taken < 0.5, one, zero)
                    sel = hit * gate
                    z_v[g * _NC + j, sl] = sel
                    taken = taken + sel
            return 0

        lax.fori_loop(0, nchunk, chunk, 0)
        pltpu.sync_copy(z_v, z_hbm.at[:, pl.ds(base, tpw)])

    return k(yT)


def kernel(x, W_enc, b_enc, W_dec, b_dec):
    noise_t, eye = _consts()
    full = lambda i: (0, 0)
    row = lambda i: (i, 0)
    col = lambda i: (0, i)
    logits2d, yT = pl.pallas_call(
        _enc_body,
        grid=(_NBLK,),
        in_specs=[
            pl.BlockSpec((_BT, _D), row),
            pl.BlockSpec((_D, _C), full),
            pl.BlockSpec((_C, 1), full),
            pl.BlockSpec((_C, _BT), col),
            pl.BlockSpec((_C, _C), full),
        ],
        out_specs=[
            pl.BlockSpec((_BT, _C), row),
            pl.BlockSpec((_C, _BT), col),
        ],
        out_shape=[
            jax.ShapeDtypeStruct((_N_TOK, _C), jnp.float32),
            jax.ShapeDtypeStruct((_C, _N_TOK), jnp.float32),
        ],
    )(x, W_enc, b_enc.reshape(-1, 1), noise_t, eye)
    zT = _sc_sample(yT)
    z_flat, recon = pl.pallas_call(
        _dec_body,
        grid=(_NBLK,),
        in_specs=[
            pl.BlockSpec((_C, _BT), col),
            pl.BlockSpec((_C, _C), full),
            pl.BlockSpec((_C, _D), full),
            pl.BlockSpec((1, _D), full),
        ],
        out_specs=[
            pl.BlockSpec((_BT, _C), row),
            pl.BlockSpec((_BT, _D), row),
        ],
        out_shape=[
            jax.ShapeDtypeStruct((_N_TOK, _C), jnp.float32),
            jax.ShapeDtypeStruct((_N_TOK, _D), jnp.float32),
        ],
    )(zT, eye, W_dec, b_dec.reshape(1, -1))
    return (logits2d.reshape(_N_TOK, _MW, _NC), z_flat, recon)

# --- scband reference (transcript-rebuilt; emitter-appended) ---
"""Pipeline reference for scband-goal-autoencoder-64098091925667 (READ-ONLY COPY).

The authoritative reference and input builder live on the scoring server;
editing this copy changes nothing except your own understanding.
"""

import jax, jax.numpy as jnp
import numpy as np

MATRIX_WIDTH = 8
NUM_CODES = 8
INPUT_DIM = 2048
N_TOK = 8192


def setup_inputs(seed: int = 0) -> dict:
    key = jax.random.key(seed)
    ks = jax.random.split(key, 4)
    x = jax.random.normal(ks[0], (N_TOK, INPUT_DIM), dtype=jnp.float32)
    bound_e = 1.0 / np.sqrt(INPUT_DIM)
    W_enc = jax.random.uniform(ks[1], (INPUT_DIM, MATRIX_WIDTH * NUM_CODES), dtype=jnp.float32, minval=-bound_e, maxval=bound_e)
    b_enc = jnp.zeros((MATRIX_WIDTH * NUM_CODES,), dtype=jnp.float32)
    bound_d = 1.0 / np.sqrt(MATRIX_WIDTH * NUM_CODES)
    W_dec = jax.random.uniform(ks[2], (MATRIX_WIDTH * NUM_CODES, INPUT_DIM), dtype=jnp.float32, minval=-bound_d, maxval=bound_d)
    b_dec = jnp.zeros((INPUT_DIM,), dtype=jnp.float32)
    return {"x": x, "W_enc": W_enc, "b_enc": b_enc, "W_dec": W_dec, "b_dec": b_dec}


def reference(x, W_enc, b_enc, W_dec, b_dec):
    mw, nc = MATRIX_WIDTH, NUM_CODES
    logits = x @ W_enc + b_enc
    logits = logits.reshape(-1, mw, nc)
    probs = jax.nn.softmax(logits, axis=-1)
    # torch.multinomial over softmax probs == categorical sampling over logits
    skey = jax.random.key(42)
    z_idx = jax.random.categorical(skey, logits.reshape(-1, nc), axis=-1)
    z_idx = z_idx.reshape(-1, mw)
    # scatter one-hot (z_hard) via one_hot; straight-through estimator
    z_hard = jax.nn.one_hot(z_idx, nc, dtype=logits.dtype)
    z = z_hard - jax.lax.stop_gradient(probs) + probs
    z_flat = z.reshape(-1, mw * nc)
    reconstructed = z_flat @ W_dec + b_dec
    return (logits, z_flat, reconstructed)

if __name__ == "__main__":
    import jax
    _d = setup_inputs()
    print(jax.jit(kernel)(*tuple(_d.values())))

</pallas_src>

<mosaic_0001>
#map = affine_map<(d0, d1) -> (0, 0)>
module attributes {stable_mosaic.version = 14 : i64} {
  func.func @k(%arg0: i32, %arg1: i32, %arg2: memref<64x8192xf32, #tpu.memory_space<hbm>>, %arg3: memref<64x8192xf32, #tpu.memory_space<hbm>>, %arg4: memref<64x256xf32, #tpu.memory_space<vmem>>, %arg5: memref<64x256xf32, #tpu.memory_space<vmem>>) attributes {dimension_semantics = [#tpu.dimension_semantics<core_parallel>, #tpu.dimension_semantics<subcore_parallel>], iteration_bounds = array<i64: 2, 16>, scalar_prefetch = 0 : i64, scratch_operands = 2 : i64, tpu.core_type = #tpu.core_type<sc_vector_subcore>, window_params = [{transform_indices = #map}, {transform_indices = #map}]} {
    %mul3A = arith.constant 2 : i32
    %mul3A_0 = arith.muli %arg1, %mul3A : i32
    %add3A = arith.addi %mul3A_0, %arg0 : i32
    %mul3A_1 = arith.constant 256 : i32
    %mul3A_2 = arith.muli %add3A, %mul3A_1 : i32
    "tpu.region"() ({
      %run_scoped3A = tpu.sem_alloc : memref<!tpu.dma_semaphore, #tpu.memory_space<semaphore_mem>>
      %dma_start3A = arith.constant 0 : i32
      %dma_start3A_9 = tpu.memref_slice %arg2[%dma_start3A, %mul3A_2] : memref<64x8192xf32, #tpu.memory_space<hbm>> -> memref<64x256xf32, #tpu.memory_space<hbm>>
      %dma_start3A_10 = arith.constant 0 : i32
      %dma_start3A_11 = tpu.memref_slice %arg2[%dma_start3A_10, %mul3A_2] : memref<64x8192xf32, #tpu.memory_space<hbm>> -> memref<64x256xf32, #tpu.memory_space<hbm>>
      tpu.enqueue_dma source(%dma_start3A_11 : memref<64x256xf32, #tpu.memory_space<hbm>>) target(%arg4 : memref<64x256xf32, #tpu.memory_space<vmem>>) target_semaphore(%run_scoped3A : memref<!tpu.dma_semaphore, #tpu.memory_space<semaphore_mem>>)
      %dma_wait3A = arith.constant 0 : i32
      %dma_wait3A_12 = tpu.memref_slice %arg2[%dma_wait3A, %mul3A_2] : memref<64x8192xf32, #tpu.memory_space<hbm>> -> memref<64x256xf32, #tpu.memory_space<hbm>>
      %dma_wait3A_13 = arith.constant 0 : i32
      %dma_wait3A_14 = tpu.memref_slice %arg2[%dma_wait3A_13, %mul3A_2] : memref<64x8192xf32, #tpu.memory_space<hbm>> -> memref<64x256xf32, #tpu.memory_space<hbm>>
      tpu.wait_dma2 semaphore(%run_scoped3A : memref<!tpu.dma_semaphore, #tpu.memory_space<semaphore_mem>>) src(%dma_wait3A_14 : memref<64x256xf32, #tpu.memory_space<hbm>>) dst(%arg4 : memref<64x256xf32, #tpu.memory_space<vmem>>)
      tpu.yield
    }) : () -> ()
    %scan3A = arith.constant 0 : i32
    %scan3A_3 = arith.constant 0 : i32
    %scan3A_4 = arith.constant 16 : i32
    %scan3A_5 = arith.addi %scan3A_3, %scan3A_4 : i32
    %scan3A_6 = arith.constant 1 : i32
    %scan3A_7 = scf.for %scan3A_9 = %scan3A_3 to %scan3A_5 step %scan3A_6 iter_args(%scan3A_10 = %scan3A) -> (i32)  : i32 {
      %mul3A_11 = arith.constant 16 : i32
      %mul3A_12 = arith.muli %scan3A_9, %mul3A_11 : i32
      %broadcast_in_dim3A = arith.constant 1.000000e+00 : f32
      %broadcast_in_dim3A_13 = vector.broadcast %broadcast_in_dim3A : f32 to vector<16xf32>
      %broadcast_in_dim3A_14 = arith.constant 0.000000e+00 : f32
      %broadcast_in_dim3A_15 = vector.broadcast %broadcast_in_dim3A_14 : f32 to vector<16xf32>
      %get3A = arith.constant 0 : i32
      %get3A_16 = arith.index_cast %get3A : i32 to index
      %get3A_17 = arith.index_cast %mul3A_12 : i32 to index
      %get3A_18 = tpu.vector_load %arg4[%get3A_16, %get3A_17] {strides = array<i32>} : memref<64x256xf32, #tpu.memory_space<vmem>>, vector<1x16xf32>,
      %get3A_19 = vector.shape_cast %get3A_18 : vector<1x16xf32> to vector<16xf32>
      %get3A_20 = arith.constant 1 : i32
      %get3A_21 = arith.index_cast %get3A_20 : i32 to index
      %get3A_22 = arith.index_cast %mul3A_12 : i32 to index
      %get3A_23 = tpu.vector_load %arg4[%get3A_21, %get3A_22] {strides = array<i32>} : memref<64x256xf32, #tpu.memory_space<vmem>>, vector<1x16xf32>,
      %get3A_24 = vector.shape_cast %get3A_23 : vector<1x16xf32> to vector<16xf32>
      %max3A = arith.maximumf %get3A_19, %get3A_24 : vector<16xf32>
      %get3A_25 = arith.constant 2 : i32
      %get3A_26 = arith.index_cast %get3A_25 : i32 to index
      %get3A_27 = arith.index_cast %mul3A_12 : i32 to index
      %get3A_28 = tpu.vector_load %arg4[%get3A_26, %get3A_27] {strides = array<i32>} : memref<64x256xf32, #tpu.memory_space<vmem>>, vector<1x16xf32>,
      %get3A_29 = vector.shape_cast %get3A_28 : vector<1x16xf32> to vector<16xf32>
      %max3A_30 = arith.maximumf %max3A, %get3A_29 : vector<16xf32>
      %get3A_31 = arith.constant 3 : i32
      %get3A_32 = arith.index_cast %get3A_31 : i32 to index
      %get3A_33 = arith.index_cast %mul3A_12 : i32 to index
      %get3A_34 = tpu.vector_load %arg4[%get3A_32, %get3A_33] {strides = array<i32>} : memref<64x256xf32, #tpu.memory_space<vmem>>, vector<1x16xf32>,
      %get3A_35 = vector.shape_cast %get3A_34 : vector<1x16xf32> to vector<16xf32>
      %max3A_36 = arith.maximumf %max3A_30, %get3A_35 : vector<16xf32>
      %get3A_37 = arith.constant 4 : i32
      %get3A_38 = arith.index_cast %get3A_37 : i32 to index
      %get3A_39 = arith.index_cast %mul3A_12 : i32 to index
      %get3A_40 = tpu.vector_load %arg4[%get3A_38, %get3A_39] {strides = array<i32>} : memref<64x256xf32, #tpu.memory_space<vmem>>, vector<1x16xf32>,
      %get3A_41 = vector.shape_cast %get3A_40 : vector<1x16xf32> to vector<16xf32>
      %max3A_42 = arith.maximumf %max3A_36, %get3A_41 : vector<16xf32>
      %get3A_43 = arith.constant 5 : i32
      %get3A_44 = arith.index_cast %get3A_43 : i32 to index
      %get3A_45 = arith.index_cast %mul3A_12 : i32 to index
      %get3A_46 = tpu.vector_load %arg4[%get3A_44, %get3A_45] {strides = array<i32>} : memref<64x256xf32, #tpu.memory_space<vmem>>, vector<1x16xf32>,
      %get3A_47 = vector.shape_cast %get3A_46 : vector<1x16xf32> to vector<16xf32>
      %max3A_48 = arith.maximumf %max3A_42, %get3A_47 : vector<16xf32>
      %get3A_49 = arith.constant 6 : i32
      %get3A_50 = arith.index_cast %get3A_49 : i32 to index
      %get3A_51 = arith.index_cast %mul3A_12 : i32 to index
      %get3A_52 = tpu.vector_load %arg4[%get3A_50, %get3A_51] {strides = array<i32>} : memref<64x256xf32, #tpu.memory_space<vmem>>, vector<1x16xf32>,
      %get3A_53 = vector.shape_cast %get3A_52 : vector<1x16xf32> to vector<16xf32>
      %max3A_54 = arith.maximumf %max3A_48, %get3A_53 : vector<16xf32>
      %get3A_55 = arith.constant 7 : i32
      %get3A_56 = arith.index_cast %get3A_55 : i32 to index
      %get3A_57 = arith.index_cast %mul3A_12 : i32 to index
      %get3A_58 = tpu.vector_load %arg4[%get3A_56, %get3A_57] {strides = array<i32>} : memref<64x256xf32, #tpu.memory_space<vmem>>, vector<1x16xf32>,
      %get3A_59 = vector.shape_cast %get3A_58 : vector<1x16xf32> to vector<16xf32>
      %max3A_60 = arith.maximumf %max3A_54, %get3A_59 : vector<16xf32>
      %get3A_61 = arith.constant 0 : i32
      %get3A_62 = arith.index_cast %get3A_61 : i32 to index
      %get3A_63 = arith.index_cast %mul3A_12 : i32 to index
      %get3A_64 = tpu.vector_load %arg4[%get3A_62, %get3A_63] {strides = array<i32>} : memref<64x256xf32, #tpu.memory_space<vmem>>, vector<1x16xf32>,
      %get3A_65 = vector.shape_cast %get3A_64 : vector<1x16xf32> to vector<16xf32>
      %eq3A = arith.cmpf oeq, %get3A_65, %max3A_60 : vector<16xf32>
      %select_n3A = arith.select %eq3A, %broadcast_in_dim3A_13, %broadcast_in_dim3A_15 : vector<16xi1>, vector<16xf32>
      %lt3A = arith.constant 5.000000e-01 : f32
      %lt3A_66 = vector.broadcast %lt3A : f32 to vector<16xf32>
      %lt3A_67 = arith.cmpf olt, %broadcast_in_dim3A_15, %lt3A_66 : vector<16xf32>
      %select_n3A_68 = arith.select %lt3A_67, %broadcast_in_dim3A_13, %broadcast_in_dim3A_15 : vector<16xi1>, vector<16xf32>
      %mul3A_69 = arith.mulf %select_n3A, %select_n3A_68 : vector<16xf32>
      %swap3A = arith.constant 0 : i32
      %swap3A_70 = arith.index_cast %swap3A : i32 to index
      %swap3A_71 = arith.index_cast %mul3A_12 : i32 to index
      %swap3A_72 = tpu.vector_load %arg5[%swap3A_70, %swap3A_71] {strides = array<i32>} : memref<64x256xf32, #tpu.memory_space<vmem>>, vector<1x16xf32>,
      %swap3A_73 = vector.shape_cast %swap3A_72 : vector<1x16xf32> to vector<16xf32>
      %swap3A_74 = vector.shape_cast %mul3A_69 : vector<16xf32> to vector<1x16xf32>
      tpu.vector_store %arg5[%swap3A_70, %swap3A_71], %swap3A_74 {strides = array<i32>} : memref<64x256xf32, #tpu.memory_space<vmem>>, vector<1x16xf32>,
      %add3A_75 = arith.addf %broadcast_in_dim3A_15, %mul3A_69 : vector<16xf32>
      %get3A_76 = arith.constant 1 : i32
      %get3A_77 = arith.index_cast %get3A_76 : i32 to index
      %get3A_78 = arith.index_cast %mul3A_12 : i32 to index
      %get3A_79 = tpu.vector_load %arg4[%get3A_77, %get3A_78] {strides = array<i32>} : memref<64x256xf32, #tpu.memory_space<vmem>>, vector<1x16xf32>,
      %get3A_80 = vector.shape_cast %get3A_79 : vector<1x16xf32> to vector<16xf32>
      %eq3A_81 = arith.cmpf oeq, %get3A_80, %max3A_60 : vector<16xf32>
      %select_n3A_82 = arith.select %eq3A_81, %broadcast_in_dim3A_13, %broadcast_in_dim3A_15 : vector<16xi1>, vector<16xf32>
      %lt3A_83 = arith.constant 5.000000e-01 : f32
      %lt3A_84 = vector.broadcast %lt3A_83 : f32 to vector<16xf32>
      %lt3A_85 = arith.cmpf olt, %add3A_75, %lt3A_84 : vector<16xf32>
      %select_n3A_86 = arith.select %lt3A_85, %broadcast_in_dim3A_13, %broadcast_in_dim3A_15 : vector<16xi1>, vector<16xf32>
      %mul3A_87 = arith.mulf %select_n3A_82, %select_n3A_86 : vector<16xf32>
      %swap3A_88 = arith.constant 1 : i32
      %swap3A_89 = arith.index_cast %swap3A_88 : i32 to index
      %swap3A_90 = arith.index_cast %mul3A_12 : i32 to index
      %swap3A_91 = tpu.vector_load %arg5[%swap3A_89, %swap3A_90] {strides = array<i32>} : memref<64x256xf32, #tpu.memory_space<vmem>>, vector<1x16xf32>,
      %swap3A_92 = vector.shape_cast %swap3A_91 : vector<1x16xf32> to vector<16xf32>
      %swap3A_93 = vector.shape_cast %mul3A_87 : vector<16xf32> to vector<1x16xf32>
      tpu.vector_store %arg5[%swap3A_89, %swap3A_90], %swap3A_93 {strides = array<i32>} : memref<64x256xf32, #tpu.memory_space<vmem>>, vector<1x16xf32>,
      %add3A_94 = arith.addf %add3A_75, %mul3A_87 : vector<16xf32>
      %get3A_95 = arith.constant 2 : i32
      %get3A_96 = arith.index_cast %get3A_95 : i32 to index
      %get3A_97 = arith.index_cast %mul3A_12 : i32 to index
      %get3A_98 = tpu.vector_load %arg4[%get3A_96, %get3A_97] {strides = array<i32>} : memref<64x256xf32, #tpu.memory_space<vmem>>, vector<1x16xf32>,
      %get3A_99 = vector.shape_cast %get3A_98 : vector<1x16xf32> to vector<16xf32>
      %eq3A_100 = arith.cmpf oeq, %get3A_99, %max3A_60 : vector<16xf32>
      %select_n3A_101 = arith.select %eq3A_100, %broadcast_in_dim3A_13, %broadcast_in_dim3A_15 : vector<16xi1>, vector<16xf32>
      %lt3A_102 = arith.constant 5.000000e-01 : f32
      %lt3A_103 = vector.broadcast %lt3A_102 : f32 to vector<16xf32>
      %lt3A_104 = arith.cmpf olt, %add3A_94, %lt3A_103 : vector<16xf32>
      %select_n3A_105 = arith.select %lt3A_104, %broadcast_in_dim3A_13, %broadcast_in_dim3A_15 : vector<16xi1>, vector<16xf32>
      %mul3A_106 = arith.mulf %select_n3A_101, %select_n3A_105 : vector<16xf32>
      %swap3A_107 = arith.constant 2 : i32
      %swap3A_108 = arith.index_cast %swap3A_107 : i32 to index
      %swap3A_109 = arith.index_cast %mul3A_12 : i32 to index
      %swap3A_110 = tpu.vector_load %arg5[%swap3A_108, %swap3A_109] {strides = array<i32>} : memref<64x256xf32, #tpu.memory_space<vmem>>, vector<1x16xf32>,
      %swap3A_111 = vector.shape_cast %swap3A_110 : vector<1x16xf32> to vector<16xf32>
      %swap3A_112 = vector.shape_cast %mul3A_106 : vector<16xf32> to vector<1x16xf32>
      tpu.vector_store %arg5[%swap3A_108, %swap3A_109], %swap3A_112 {strides = array<i32>} : memref<64x256xf32, #tpu.memory_space<vmem>>, vector<1x16xf32>,
      %add3A_113 = arith.addf %add3A_94, %mul3A_106 : vector<16xf32>
      %get3A_114 = arith.constant 3 : i32
      %get3A_115 = arith.index_cast %get3A_114 : i32 to index
      %get3A_116 = arith.index_cast %mul3A_12 : i32 to index
      %get3A_117 = tpu.vector_load %arg4[%get3A_115, %get3A_116] {strides = array<i32>} : memref<64x256xf32, #tpu.memory_space<vmem>>, vector<1x16xf32>,
      %get3A_118 = vector.shape_cast %get3A_117 : vector<1x16xf32> to vector<16xf32>
      %eq3A_119 = arith.cmpf oeq, %get3A_118, %max3A_60 : vector<16xf32>
      %select_n3A_120 = arith.select %eq3A_119, %broadcast_in_dim3A_13, %broadcast_in_dim3A_15 : vector<16xi1>, vector<16xf32>
      %lt3A_121 = arith.constant 5.000000e-01 : f32
      %lt3A_122 = vector.broadcast %lt3A_121 : f32 to vector<16xf32>
      %lt3A_123 = arith.cmpf olt, %add3A_113, %lt3A_122 : vector<16xf32>
      %select_n3A_124 = arith.select %lt3A_123, %broadcast_in_dim3A_13, %broadcast_in_dim3A_15 : vector<16xi1>, vector<16xf32>
      %mul3A_125 = arith.mulf %select_n3A_120, %select_n3A_124 : vector<16xf32>
      %swap3A_126 = arith.constant 3 : i32
      %swap3A_127 = arith.index_cast %swap3A_126 : i32 to index
      %swap3A_128 = arith.index_cast %mul3A_12 : i32 to index
      %swap3A_129 = tpu.vector_load %arg5[%swap3A_127, %swap3A_128] {strides = array<i32>} : memref<64x256xf32, #tpu.memory_space<vmem>>, vector<1x16xf32>,
      %swap3A_130 = vector.shape_cast %swap3A_129 : vector<1x16xf32> to vector<16xf32>
      %swap3A_131 = vector.shape_cast %mul3A_125 : vector<16xf32> to vector<1x16xf32>
      tpu.vector_store %arg5[%swap3A_127, %swap3A_128], %swap3A_131 {strides = array<i32>} : memref<64x256xf32, #tpu.memory_space<vmem>>, vector<1x16xf32>,
      %add3A_132 = arith.addf %add3A_113, %mul3A_125 : vector<16xf32>
      %get3A_133 = arith.constant 4 : i32
      %get3A_134 = arith.index_cast %get3A_133 : i32 to index
      %get3A_135 = arith.index_cast %mul3A_12 : i32 to index
      %get3A_136 = tpu.vector_load %arg4[%get3A_134, %get3A_135] {strides = array<i32>} : memref<64x256xf32, #tpu.memory_space<vmem>>, vector<1x16xf32>,
      %get3A_137 = vector.shape_cast %get3A_136 : vector<1x16xf32> to vector<16xf32>
      %eq3A_138 = arith.cmpf oeq, %get3A_137, %max3A_60 : vector<16xf32>
      %select_n3A_139 = arith.select %eq3A_138, %broadcast_in_dim3A_13, %broadcast_in_dim3A_15 : vector<16xi1>, vector<16xf32>
      %lt3A_140 = arith.constant 5.000000e-01 : f32
      %lt3A_141 = vector.broadcast %lt3A_140 : f32 to vector<16xf32>
      %lt3A_142 = arith.cmpf olt, %add3A_132, %lt3A_141 : vector<16xf32>
      %select_n3A_143 = arith.select %lt3A_142, %broadcast_in_dim3A_13, %broadcast_in_dim3A_15 : vector<16xi1>, vector<16xf32>
      %mul3A_144 = arith.mulf %select_n3A_139, %select_n3A_143 : vector<16xf32>
      %swap3A_145 = arith.constant 4 : i32
      %swap3A_146 = arith.index_cast %swap3A_145 : i32 to index
      %swap3A_147 = arith.index_cast %mul3A_12 : i32 to index
      %swap3A_148 = tpu.vector_load %arg5[%swap3A_146, %swap3A_147] {strides = array<i32>} : memref<64x256xf32, #tpu.memory_space<vmem>>, vector<1x16xf32>,
      %swap3A_149 = vector.shape_cast %swap3A_148 : vector<1x16xf32> to vector<16xf32>
      %swap3A_150 = vector.shape_cast %mul3A_144 : vector<16xf32> to vector<1x16xf32>
      tpu.vector_store %arg5[%swap3A_146, %swap3A_147], %swap3A_150 {strides = array<i32>} : memref<64x256xf32, #tpu.memory_space<vmem>>, vector<1x16xf32>,
      %add3A_151 = arith.addf %add3A_132, %mul3A_144 : vector<16xf32>
      %get3A_152 = arith.constant 5 : i32
      %get3A_153 = arith.index_cast %get3A_152 : i32 to index
      %get3A_154 = arith.index_cast %mul3A_12 : i32 to index
      %get3A_155 = tpu.vector_load %arg4[%get3A_153, %get3A_154] {strides = array<i32>} : memref<64x256xf32, #tpu.memory_space<vmem>>, vector<1x16xf32>,
      %get3A_156 = vector.shape_cast %get3A_155 : vector<1x16xf32> to vector<16xf32>
      %eq3A_157 = arith.cmpf oeq, %get3A_156, %max3A_60 : vector<16xf32>
      %select_n3A_158 = arith.select %eq3A_157, %broadcast_in_dim3A_13, %broadcast_in_dim3A_15 : vector<16xi1>, vector<16xf32>
      %lt3A_159 = arith.constant 5.000000e-01 : f32
      %lt3A_160 = vector.broadcast %lt3A_159 : f32 to vector<16xf32>
      %lt3A_161 = arith.cmpf olt, %add3A_151, %lt3A_160 : vector<16xf32>
      %select_n3A_162 = arith.select %lt3A_161, %broadcast_in_dim3A_13, %broadcast_in_dim3A_15 : vector<16xi1>, vector<16xf32>
      %mul3A_163 = arith.mulf %select_n3A_158, %select_n3A_162 : vector<16xf32>
      %swap3A_164 = arith.constant 5 : i32
      %swap3A_165 = arith.index_cast %swap3A_164 : i32 to index
      %swap3A_166 = arith.index_cast %mul3A_12 : i32 to index
      %swap3A_167 = tpu.vector_load %arg5[%swap3A_165, %swap3A_166] {strides = array<i32>} : memref<64x256xf32, #tpu.memory_space<vmem>>, vector<1x16xf32>,
      %swap3A_168 = vector.shape_cast %swap3A_167 : vector<1x16xf32> to vector<16xf32>
      %swap3A_169 = vector.shape_cast %mul3A_163 : vector<16xf32> to vector<1x16xf32>
      tpu.vector_store %arg5[%swap3A_165, %swap3A_166], %swap3A_169 {strides = array<i32>} : memref<64x256xf32, #tpu.memory_space<vmem>>, vector<1x16xf32>,
      %add3A_170 = arith.addf %add3A_151, %mul3A_163 : vector<16xf32>
      %get3A_171 = arith.constant 6 : i32
      %get3A_172 = arith.index_cast %get3A_171 : i32 to index
      %get3A_173 = arith.index_cast %mul3A_12 : i32 to index
      %get3A_174 = tpu.vector_load %arg4[%get3A_172, %get3A_173] {strides = array<i32>} : memref<64x256xf32, #tpu.memory_space<vmem>>, vector<1x16xf32>,
      %get3A_175 = vector.shape_cast %get3A_174 : vector<1x16xf32> to vector<16xf32>
      %eq3A_176 = arith.cmpf oeq, %get3A_175, %max3A_60 : vector<16xf32>
      %select_n3A_177 = arith.select %eq3A_176, %broadcast_in_dim3A_13, %broadcast_in_dim3A_15 : vector<16xi1>, vector<16xf32>
      %lt3A_178 = arith.constant 5.000000e-01 : f32
      %lt3A_179 = vector.broadcast %lt3A_178 : f32 to vector<16xf32>
      %lt3A_180 = arith.cmpf olt, %add3A_170, %lt3A_179 : vector<16xf32>
      %select_n3A_181 = arith.select %lt3A_180, %broadcast_in_dim3A_13, %broadcast_in_dim3A_15 : vector<16xi1>, vector<16xf32>
      %mul3A_182 = arith.mulf %select_n3A_177, %select_n3A_181 : vector<16xf32>
      %swap3A_183 = arith.constant 6 : i32
      %swap3A_184 = arith.index_cast %swap3A_183 : i32 to index
      %swap3A_185 = arith.index_cast %mul3A_12 : i32 to index
      %swap3A_186 = tpu.vector_load %arg5[%swap3A_184, %swap3A_185] {strides = array<i32>} : memref<64x256xf32, #tpu.memory_space<vmem>>, vector<1x16xf32>,
      %swap3A_187 = vector.shape_cast %swap3A_186 : vector<1x16xf32> to vector<16xf32>
      %swap3A_188 = vector.shape_cast %mul3A_182 : vector<16xf32> to vector<1x16xf32>
      tpu.vector_store %arg5[%swap3A_184, %swap3A_185], %swap3A_188 {strides = array<i32>} : memref<64x256xf32, #tpu.memory_space<vmem>>, vector<1x16xf32>,
      %add3A_189 = arith.addf %add3A_170, %mul3A_182 : vector<16xf32>
      %get3A_190 = arith.constant 7 : i32
      %get3A_191 = arith.index_cast %get3A_190 : i32 to index
      %get3A_192 = arith.index_cast %mul3A_12 : i32 to index
      %get3A_193 = tpu.vector_load %arg4[%get3A_191, %get3A_192] {strides = array<i32>} : memref<64x256xf32, #tpu.memory_space<vmem>>, vector<1x16xf32>,
      %get3A_194 = vector.shape_cast %get3A_193 : vector<1x16xf32> to vector<16xf32>
      %eq3A_195 = arith.cmpf oeq, %get3A_194, %max3A_60 : vector<16xf32>
      %select_n3A_196 = arith.select %eq3A_195, %broadcast_in_dim3A_13, %broadcast_in_dim3A_15 : vector<16xi1>, vector<16xf32>
      %lt3A_197 = arith.constant 5.000000e-01 : f32
      %lt3A_198 = vector.broadcast %lt3A_197 : f32 to vector<16xf32>
      %lt3A_199 = arith.cmpf olt, %add3A_189, %lt3A_198 : vector<16xf32>
      %select_n3A_200 = arith.select %lt3A_199, %broadcast_in_dim3A_13, %broadcast_in_dim3A_15 : vector<16xi1>, vector<16xf32>
      %mul3A_201 = arith.mulf %select_n3A_196, %select_n3A_200 : vector<16xf32>
      %swap3A_202 = arith.constant 7 : i32
      %swap3A_203 = arith.index_cast %swap3A_202 : i32 to index
      %swap3A_204 = arith.index_cast %mul3A_12 : i32 to index
      %swap3A_205 = tpu.vector_load %arg5[%swap3A_203, %swap3A_204] {strides = array<i32>} : memref<64x256xf32, #tpu.memory_space<vmem>>, vector<1x16xf32>,
      %swap3A_206 = vector.shape_cast %swap3A_205 : vector<1x16xf32> to vector<16xf32>
      %swap3A_207 = vector.shape_cast %mul3A_201 : vector<16xf32> to vector<1x16xf32>
      tpu.vector_store %arg5[%swap3A_203, %swap3A_204], %swap3A_207 {strides = array<i32>} : memref<64x256xf32, #tpu.memory_space<vmem>>, vector<1x16xf32>,
      %add3A_208 = arith.addf %add3A_189, %mul3A_201 : vector<16xf32>
      %get3A_209 = arith.constant 8 : i32
      %get3A_210 = arith.index_cast %get3A_209 : i32 to index
      %get3A_211 = arith.index_cast %mul3A_12 : i32 to index
      %get3A_212 = tpu.vector_load %arg4[%get3A_210, %get3A_211] {strides = array<i32>} : memref<64x256xf32, #tpu.memory_space<vmem>>, vector<1x16xf32>,
      %get3A_213 = vector.shape_cast %get3A_212 : vector<1x16xf32> to vector<16xf32>
      %get3A_214 = arith.constant 9 : i32
      %get3A_215 = arith.index_cast %get3A_214 : i32 to index
      %get3A_216 = arith.index_cast %mul3A_12 : i32 to index
      %get3A_217 = tpu.vector_load %arg4[%get3A_215, %get3A_216] {strides = array<i32>} : memref<64x256xf32, #tpu.memory_space<vmem>>, vector<1x16xf32>,
      %get3A_218 = vector.shape_cast %get3A_217 : vector<1x16xf32> to vector<16xf32>
      %max3A_219 = arith.maximumf %get3A_213, %get3A_218 : vector<16xf32>
      %get3A_220 = arith.constant 10 : i32
      %get3A_221 = arith.index_cast %get3A_220 : i32 to index
      %get3A_222 = arith.index_cast %mul3A_12 : i32 to index
      %get3A_223 = tpu.vector_load %arg4[%get3A_221, %get3A_222] {strides = array<i32>} : memref<64x256xf32, #tpu.memory_space<vmem>>, vector<1x16xf32>,
      %get3A_224 = vector.shape_cast %get3A_223 : vector<1x16xf32> to vector<16xf32>
      %max3A_225 = arith.maximumf %max3A_219, %get3A_224 : vector<16xf32>
      %get3A_226 = arith.constant 11 : i32
      %get3A_227 = arith.index_cast %get3A_226 : i32 to index
      %get3A_228 = arith.index_cast %mul3A_12 : i32 to index
      %get3A_229 = tpu.vector_load %arg4[%get3A_227, %get3A_228] {strides = array<i32>} : memref<64x256xf32, #tpu.memory_space<vmem>>, vector<1x16xf32>,
      %get3A_230 = vector.shape_cast %get3A_229 : vector<1x16xf32> to vector<16xf32>
      %max3A_231 = arith.maximumf %max3A_225, %get3A_230 : vector<16xf32>
      %get3A_232 = arith.constant 12 : i32
      %get3A_233 = arith.index_cast %get3A_232 : i32 to index
      %get3A_234 = arith.index_cast %mul3A_12 : i32 to index
      %get3A_235 = tpu.vector_load %arg4[%get3A_233, %get3A_234] {strides = array<i32>} : memref<64x256xf32, #tpu.memory_space<vmem>>, vector<1x16xf32>,
      %get3A_236 = vector.shape_cast %get3A_235 : vector<1x16xf32> to vector<16xf32>
      %max3A_237 = arith.maximumf %max3A_231, %get3A_236 : vector<16xf32>
      %get3A_238 = arith.constant 13 : i32
      %get3A_239 = arith.index_cast %get3A_238 : i32 to index
      %get3A_240 = arith.index_cast %mul3A_12 : i32 to index
      %get3A_241 = tpu.vector_load %arg4[%get3A_239, %get3A_240] {strides = array<i32>} : memref<64x256xf32, #tpu.memory_space<vmem>>, vector<1x16xf32>,
      %get3A_242 = vector.shape_cast %get3A_241 : vector<1x16xf32> to vector<16xf32>
      %max3A_243 = arith.maximumf %max3A_237, %get3A_242 : vector<16xf32>
      %get3A_244 = arith.constant 14 : i32
      %get3A_245 = arith.index_cast %get3A_244 : i32 to index
      %get3A_246 = arith.index_cast %mul3A_12 : i32 to index
      %get3A_247 = tpu.vector_load %arg4[%get3A_245, %get3A_246] {strides = array<i32>} : memref<64x256xf32, #tpu.memory_space<vmem>>, vector<1x16xf32>,
      %get3A_248 = vector.shape_cast %get3A_247 : vector<1x16xf32> to vector<16xf32>
      %max3A_249 = arith.maximumf %max3A_243, %get3A_248 : vector<16xf32>
      %get3A_250 = arith.constant 15 : i32
      %get3A_251 = arith.index_cast %get3A_250 : i32 to index
      %get3A_252 = arith.index_cast %mul3A_12 : i32 to index
      %get3A_253 = tpu.vector_load %arg4[%get3A_251, %get3A_252] {strides = array<i32>} : memref<64x256xf32, #tpu.memory_space<vmem>>, vector<1x16xf32>,
      %get3A_254 = vector.shape_cast %get3A_253 : vector<1x16xf32> to vector<16xf32>
      %max3A_255 = arith.maximumf %max3A_249, %get3A_254 : vector<16xf32>
      %get3A_256 = arith.constant 8 : i32
      %get3A_257 = arith.index_cast %get3A_256 : i32 to index
      %get3A_258 = arith.index_cast %mul3A_12 : i32 to index
      %get3A_259 = tpu.vector_load %arg4[%get3A_257, %get3A_258] {strides = array<i32>} : memref<64x256xf32, #tpu.memory_space<vmem>>, vector<1x16xf32>,
      %get3A_260 = vector.shape_cast %get3A_259 : vector<1x16xf32> to vector<16xf32>
      %eq3A_261 = arith.cmpf oeq, %get3A_260, %max3A_255 : vector<16xf32>
      %select_n3A_262 = arith.select %eq3A_261, %broadcast_in_dim3A_13, %broadcast_in_dim3A_15 : vector<16xi1>, vector<16xf32>
      %lt3A_263 = arith.constant 5.000000e-01 : f32
      %lt3A_264 = vector.broadcast %lt3A_263 : f32 to vector<16xf32>
      %lt3A_265 = arith.cmpf olt, %broadcast_in_dim3A_15, %lt3A_264 : vector<16xf32>
      %select_n3A_266 = arith.select %lt3A_265, %broadcast_in_dim3A_13, %broadcast_in_dim3A_15 : vector<16xi1>, vector<16xf32>
      %mul3A_267 = arith.mulf %select_n3A_262, %select_n3A_266 : vector<16xf32>
      %swap3A_268 = arith.constant 8 : i32
      %swap3A_269 = arith.index_cast %swap3A_268 : i32 to index
      %swap3A_270 = arith.index_cast %mul3A_12 : i32 to index
      %swap3A_271 = tpu.vector_load %arg5[%swap3A_269, %swap3A_270] {strides = array<i32>} : memref<64x256xf32, #tpu.memory_space<vmem>>, vector<1x16xf32>,
      %swap3A_272 = vector.shape_cast %swap3A_271 : vector<1x16xf32> to vector<16xf32>
      %swap3A_273 = vector.shape_cast %mul3A_267 : vector<16xf32> to vector<1x16xf32>
      tpu.vector_store %arg5[%swap3A_269, %swap3A_270], %swap3A_273 {strides = array<i32>} : memref<64x256xf32, #tpu.memory_space<vmem>>, vector<1x16xf32>,
      %add3A_274 = arith.addf %broadcast_in_dim3A_15, %mul3A_267 : vector<16xf32>
      %get3A_275 = arith.constant 9 : i32
      %get3A_276 = arith.index_cast %get3A_275 : i32 to index
      %get3A_277 = arith.index_cast %mul3A_12 : i32 to index
      %get3A_278 = tpu.vector_load %arg4[%get3A_276, %get3A_277] {strides = array<i32>} : memref<64x256xf32, #tpu.memory_space<vmem>>, vector<1x16xf32>,
      %get3A_279 = vector.shape_cast %get3A_278 : vector<1x16xf32> to vector<16xf32>
      %eq3A_280 = arith.cmpf oeq, %get3A_279, %max3A_255 : vector<16xf32>
      %select_n3A_281 = arith.select %eq3A_280, %broadcast_in_dim3A_13, %broadcast_in_dim3A_15 : vector<16xi1>, vector<16xf32>
      %lt3A_282 = arith.constant 5.000000e-01 : f32
      %lt3A_283 = vector.broadcast %lt3A_282 : f32 to vector<16xf32>
      %lt3A_284 = arith.cmpf olt, %add3A_274, %lt3A_283 : vector<16xf32>
      %select_n3A_285 = arith.select %lt3A_284, %broadcast_in_dim3A_13, %broadcast_in_dim3A_15 : vector<16xi1>, vector<16xf32>
      %mul3A_286 = arith.mulf %select_n3A_281, %select_n3A_285 : vector<16xf32>
      %swap3A_287 = arith.constant 9 : i32
      %swap3A_288 = arith.index_cast %swap3A_287 : i32 to index
      %swap3A_289 = arith.index_cast %mul3A_12 : i32 to index
      %swap3A_290 = tpu.vector_load %arg5[%swap3A_288, %swap3A_289] {strides = array<i32>} : memref<64x256xf32, #tpu.memory_space<vmem>>, vector<1x16xf32>,
      %swap3A_291 = vector.shape_cast %swap3A_290 : vector<1x16xf32> to vector<16xf32>
      %swap3A_292 = vector.shape_cast %mul3A_286 : vector<16xf32> to vector<1x16xf32>
      tpu.vector_store %arg5[%swap3A_288, %swap3A_289], %swap3A_292 {strides = array<i32>} : memref<64x256xf32, #tpu.memory_space<vmem>>, vector<1x16xf32>,
      %add3A_293 = arith.addf %add3A_274, %mul3A_286 : vector<16xf32>
      %get3A_294 = arith.constant 10 : i32
      %get3A_295 = arith.index_cast %get3A_294 : i32 to index
      %get3A_296 = arith.index_cast %mul3A_12 : i32 to index
      %get3A_297 = tpu.vector_load %arg4[%get3A_295, %get3A_296] {strides = array<i32>} : memref<64x256xf32, #tpu.memory_space<vmem>>, vector<1x16xf32>,
      %get3A_298 = vector.shape_cast %get3A_297 : vector<1x16xf32> to vector<16xf32>
      %eq3A_299 = arith.cmpf oeq, %get3A_298, %max3A_255 : vector<16xf32>
      %select_n3A_300 = arith.select %eq3A_299, %broadcast_in_dim3A_13, %broadcast_in_dim3A_15 : vector<16xi1>, vector<16xf32>
      %lt3A_301 = arith.constant 5.000000e-01 : f32
      %lt3A_302 = vector.broadcast %lt3A_301 : f32 to vector<16xf32>
      %lt3A_303 = arith.cmpf olt, %add3A_293, %lt3A_302 : vector<16xf32>
      %select_n3A_304 = arith.select %lt3A_303, %broadcast_in_dim3A_13, %broadcast_in_dim3A_15 : vector<16xi1>, vector<16xf32>
      %mul3A_305 = arith.mulf %select_n3A_300, %select_n3A_304 : vector<16xf32>
      %swap3A_306 = arith.constant 10 : i32
      %swap3A_307 = arith.index_cast %swap3A_306 : i32 to index
      %swap3A_308 = arith.index_cast %mul3A_12 : i32 to index
      %swap3A_309 = tpu.vector_load %arg5[%swap3A_307, %swap3A_308] {strides = array<i32>} : memref<64x256xf32, #tpu.memory_space<vmem>>, vector<1x16xf32>,
      %swap3A_310 = vector.shape_cast %swap3A_309 : vector<1x16xf32> to vector<16xf32>
      %swap3A_311 = vector.shape_cast %mul3A_305 : vector<16xf32> to vector<1x16xf32>
      tpu.vector_store %arg5[%swap3A_307, %swap3A_308], %swap3A_311 {strides = array<i32>} : memref<64x256xf32, #tpu.memory_space<vmem>>, vector<1x16xf32>,
      %add3A_312 = arith.addf %add3A_293, %mul3A_305 : vector<16xf32>
      %get3A_313 = arith.constant 11 : i32
      %get3A_314 = arith.index_cast %get3A_313 : i32 to index
      %get3A_315 = arith.index_cast %mul3A_12 : i32 to index
      %get3A_316 = tpu.vector_load %arg4[%get3A_314, %get3A_315] {strides = array<i32>} : memref<64x256xf32, #tpu.memory_space<vmem>>, vector<1x16xf32>,
      %get3A_317 = vector.shape_cast %get3A_316 : vector<1x16xf32> to vector<16xf32>
      %eq3A_318 = arith.cmpf oeq, %get3A_317, %max3A_255 : vector<16xf32>
      %select_n3A_319 = arith.select %eq3A_318, %broadcast_in_dim3A_13, %broadcast_in_dim3A_15 : vector<16xi1>, vector<16xf32>
      %lt3A_320 = arith.constant 5.000000e-01 : f32
      %lt3A_321 = vector.broadcast %lt3A_320 : f32 to vector<16xf32>
      %lt3A_322 = arith.cmpf olt, %add3A_312, %lt3A_321 : vector<16xf32>
      %select_n3A_323 = arith.select %lt3A_322, %broadcast_in_dim3A_13, %broadcast_in_dim3A_15 : vector<16xi1>, vector<16xf32>
      %mul3A_324 = arith.mulf %select_n3A_319, %select_n3A_323 : vector<16xf32>
      %swap3A_325 = arith.constant 11 : i32
      %swap3A_326 = arith.index_cast %swap3A_325 : i32 to index
      %swap3A_327 = arith.index_cast %mul3A_12 : i32 to index
      %swap3A_328 = tpu.vector_load %arg5[%swap3A_326, %swap3A_327] {strides = array<i32>} : memref<64x256xf32, #tpu.memory_space<vmem>>, vector<1x16xf32>,
      %swap3A_329 = vector.shape_cast %swap3A_328 : vector<1x16xf32> to vector<16xf32>
      %swap3A_330 = vector.shape_cast %mul3A_324 : vector<16xf32> to vector<1x16xf32>
      tpu.vector_store %arg5[%swap3A_326, %swap3A_327], %swap3A_330 {strides = array<i32>} : memref<64x256xf32, #tpu.memory_space<vmem>>, vector<1x16xf32>,
      %add3A_331 = arith.addf %add3A_312, %mul3A_324 : vector<16xf32>
      %get3A_332 = arith.constant 12 : i32
      %get3A_333 = arith.index_cast %get3A_332 : i32 to index
      %get3A_334 = arith.index_cast %mul3A_12 : i32 to index
      %get3A_335 = tpu.vector_load %arg4[%get3A_333, %get3A_334] {strides = array<i32>} : memref<64x256xf32, #tpu.memory_space<vmem>>, vector<1x16xf32>,
      %get3A_336 = vector.shape_cast %get3A_335 : vector<1x16xf32> to vector<16xf32>
      %eq3A_337 = arith.cmpf oeq, %get3A_336, %max3A_255 : vector<16xf32>
      %select_n3A_338 = arith.select %eq3A_337, %broadcast_in_dim3A_13, %broadcast_in_dim3A_15 : vector<16xi1>, vector<16xf32>
      %lt3A_339 = arith.constant 5.000000e-01 : f32
      %lt3A_340 = vector.broadcast %lt3A_339 : f32 to vector<16xf32>
      %lt3A_341 = arith.cmpf olt, %add3A_331, %lt3A_340 : vector<16xf32>
      %select_n3A_342 = arith.select %lt3A_341, %broadcast_in_dim3A_13, %broadcast_in_dim3A_15 : vector<16xi1>, vector<16xf32>
      %mul3A_343 = arith.mulf %select_n3A_338, %select_n3A_342 : vector<16xf32>
      %swap3A_344 = arith.constant 12 : i32
      %swap3A_345 = arith.index_cast %swap3A_344 : i32 to index
      %swap3A_346 = arith.index_cast %mul3A_12 : i32 to index
      %swap3A_347 = tpu.vector_load %arg5[%swap3A_345, %swap3A_346] {strides = array<i32>} : memref<64x256xf32, #tpu.memory_space<vmem>>, vector<1x16xf32>,
      %swap3A_348 = vector.shape_cast %swap3A_347 : vector<1x16xf32> to vector<16xf32>
      %swap3A_349 = vector.shape_cast %mul3A_343 : vector<16xf32> to vector<1x16xf32>
      tpu.vector_store %arg5[%swap3A_345, %swap3A_346], %swap3A_349 {strides = array<i32>} : memref<64x256xf32, #tpu.memory_space<vmem>>, vector<1x16xf32>,
      %add3A_350 = arith.addf %add3A_331, %mul3A_343 : vector<16xf32>
      %get3A_351 = arith.constant 13 : i32
      %get3A_352 = arith.index_cast %get3A_351 : i32 to index
      %get3A_353 = arith.index_cast %mul3A_12 : i32 to index
      %get3A_354 = tpu.vector_load %arg4[%get3A_352, %get3A_353] {strides = array<i32>} : memref<64x256xf32, #tpu.memory_space<vmem>>, vector<1x16xf32>,
      %get3A_355 = vector.shape_cast %get3A_354 : vector<1x16xf32> to vector<16xf32>
      %eq3A_356 = arith.cmpf oeq, %get3A_355, %max3A_255 : vector<16xf32>
      %select_n3A_357 = arith.select %eq3A_356, %broadcast_in_dim3A_13, %broadcast_in_dim3A_15 : vector<16xi1>, vector<16xf32>
      %lt3A_358 = arith.constant 5.000000e-01 : f32
      %lt3A_359 = vector.broadcast %lt3A_358 : f32 to vector<16xf32>
      %lt3A_360 = arith.cmpf olt, %add3A_350, %lt3A_359 : vector<16xf32>
      %select_n3A_361 = arith.select %lt3A_360, %broadcast_in_dim3A_13, %broadcast_in_dim3A_15 : vector<16xi1>, vector<16xf32>
      %mul3A_362 = arith.mulf %select_n3A_357, %select_n3A_361 : vector<16xf32>
      %swap3A_363 = arith.constant 13 : i32
      %swap3A_364 = arith.index_cast %swap3A_363 : i32 to index
      %swap3A_365 = arith.index_cast %mul3A_12 : i32 to index
      %swap3A_366 = tpu.vector_load %arg5[%swap3A_364, %swap3A_365] {strides = array<i32>} : memref<64x256xf32, #tpu.memory_space<vmem>>, vector<1x16xf32>,
      %swap3A_367 = vector.shape_cast %swap3A_366 : vector<1x16xf32> to vector<16xf32>
      %swap3A_368 = vector.shape_cast %mul3A_362 : vector<16xf32> to vector<1x16xf32>
      tpu.vector_store %arg5[%swap3A_364, %swap3A_365], %swap3A_368 {strides = array<i32>} : memref<64x256xf32, #tpu.memory_space<vmem>>, vector<1x16xf32>,
      %add3A_369 = arith.addf %add3A_350, %mul3A_362 : vector<16xf32>
      %get3A_370 = arith.constant 14 : i32
      %get3A_371 = arith.index_cast %get3A_370 : i32 to index
      %get3A_372 = arith.index_cast %mul3A_12 : i32 to index
      %get3A_373 = tpu.vector_load %arg4[%get3A_371, %get3A_372] {strides = array<i32>} : memref<64x256xf32, #tpu.memory_space<vmem>>, vector<1x16xf32>,
      %get3A_374 = vector.shape_cast %get3A_373 : vector<1x16xf32> to vector<16xf32>
      %eq3A_375 = arith.cmpf oeq, %get3A_374, %max3A_255 : vector<16xf32>
      %select_n3A_376 = arith.select %eq3A_375, %broadcast_in_dim3A_13, %broadcast_in_dim3A_15 : vector<16xi1>, vector<16xf32>
      %lt3A_377 = arith.constant 5.000000e-01 : f32
      %lt3A_378 = vector.broadcast %lt3A_377 : f32 to vector<16xf32>
      %lt3A_379 = arith.cmpf olt, %add3A_369, %lt3A_378 : vector<16xf32>
      %select_n3A_380 = arith.select %lt3A_379, %broadcast_in_dim3A_13, %broadcast_in_dim3A_15 : vector<16xi1>, vector<16xf32>
      %mul3A_381 = arith.mulf %select_n3A_376, %select_n3A_380 : vector<16xf32>
      %swap3A_382 = arith.constant 14 : i32
      %swap3A_383 = arith.index_cast %swap3A_382 : i32 to index
      %swap3A_384 = arith.index_cast %mul3A_12 : i32 to index
      %swap3A_385 = tpu.vector_load %arg5[%swap3A_383, %swap3A_384] {strides = array<i32>} : memref<64x256xf32, #tpu.memory_space<vmem>>, vector<1x16xf32>,
      %swap3A_386 = vector.shape_cast %swap3A_385 : vector<1x16xf32> to vector<16xf32>
      %swap3A_387 = vector.shape_cast %mul3A_381 : vector<16xf32> to vector<1x16xf32>
      tpu.vector_store %arg5[%swap3A_383, %swap3A_384], %swap3A_387 {strides = array<i32>} : memref<64x256xf32, #tpu.memory_space<vmem>>, vector<1x16xf32>,
      %add3A_388 = arith.addf %add3A_369, %mul3A_381 : vector<16xf32>
      %get3A_389 = arith.constant 15 : i32
      %get3A_390 = arith.index_cast %get3A_389 : i32 to index
      %get3A_391 = arith.index_cast %mul3A_12 : i32 to index
      %get3A_392 = tpu.vector_load %arg4[%get3A_390, %get3A_391] {strides = array<i32>} : memref<64x256xf32, #tpu.memory_space<vmem>>, vector<1x16xf32>,
      %get3A_393 = vector.shape_cast %get3A_392 : vector<1x16xf32> to vector<16xf32>
      %eq3A_394 = arith.cmpf oeq, %get3A_393, %max3A_255 : vector<16xf32>
      %select_n3A_395 = arith.select %eq3A_394, %broadcast_in_dim3A_13, %broadcast_in_dim3A_15 : vector<16xi1>, vector<16xf32>
      %lt3A_396 = arith.constant 5.000000e-01 : f32
      %lt3A_397 = vector.broadcast %lt3A_396 : f32 to vector<16xf32>
      %lt3A_398 = arith.cmpf olt, %add3A_388, %lt3A_397 : vector<16xf32>
      %select_n3A_399 = arith.select %lt3A_398, %broadcast_in_dim3A_13, %broadcast_in_dim3A_15 : vector<16xi1>, vector<16xf32>
      %mul3A_400 = arith.mulf %select_n3A_395, %select_n3A_399 : vector<16xf32>
      %swap3A_401 = arith.constant 15 : i32
      %swap3A_402 = arith.index_cast %swap3A_401 : i32 to index
      %swap3A_403 = arith.index_cast %mul3A_12 : i32 to index
      %swap3A_404 = tpu.vector_load %arg5[%swap3A_402, %swap3A_403] {strides = array<i32>} : memref<64x256xf32, #tpu.memory_space<vmem>>, vector<1x16xf32>,
      %swap3A_405 = vector.shape_cast %swap3A_404 : vector<1x16xf32> to vector<16xf32>
      %swap3A_406 = vector.shape_cast %mul3A_400 : vector<16xf32> to vector<1x16xf32>
      tpu.vector_store %arg5[%swap3A_402, %swap3A_403], %swap3A_406 {strides = array<i32>} : memref<64x256xf32, #tpu.memory_space<vmem>>, vector<1x16xf32>,
      %add3A_407 = arith.addf %add3A_388, %mul3A_400 : vector<16xf32>
      %get3A_408 = arith.constant 16 : i32
      %get3A_409 = arith.index_cast %get3A_408 : i32 to index
      %get3A_410 = arith.index_cast %mul3A_12 : i32 to index
      %get3A_411 = tpu.vector_load %arg4[%get3A_409, %get3A_410] {strides = array<i32>} : memref<64x256xf32, #tpu.memory_space<vmem>>, vector<1x16xf32>,
      %get3A_412 = vector.shape_cast %get3A_411 : vector<1x16xf32> to vector<16xf32>
      %get3A_413 = arith.constant 17 : i32
      %get3A_414 = arith.index_cast %get3A_413 : i32 to index
      %get3A_415 = arith.index_cast %mul3A_12 : i32 to index
      %get3A_416 = tpu.vector_load %arg4[%get3A_414, %get3A_415] {strides = array<i32>} : memref<64x256xf32, #tpu.memory_space<vmem>>, vector<1x16xf32>,
      %get3A_417 = vector.shape_cast %get3A_416 : vector<1x16xf32> to vector<16xf32>
      %max3A_418 = arith.maximumf %get3A_412, %get3A_417 : vector<16xf32>
      %get3A_419 = arith.constant 18 : i32
      %get3A_420 = arith.index_cast %get3A_419 : i32 to index
      %get3A_421 = arith.index_cast %mul3A_12 : i32 to index
      %get3A_422 = tpu.vector_load %arg4[%get3A_420, %get3A_421] {strides = array<i32>} : memref<64x256xf32, #tpu.memory_space<vmem>>, vector<1x16xf32>,
      %get3A_423 = vector.shape_cast %get3A_422 : vector<1x16xf32> to vector<16xf32>
      %max3A_424 = arith.maximumf %max3A_418, %get3A_423 : vector<16xf32>
      %get3A_425 = arith.constant 19 : i32
      %get3A_426 = arith.index_cast %get3A_425 : i32 to index
      %get3A_427 = arith.index_cast %mul3A_12 : i32 to index
      %get3A_428 = tpu.vector_load %arg4[%get3A_426, %get3A_427] {strides = array<i32>} : memref<64x256xf32, #tpu.memory_space<vmem>>, vector<1x16xf32>,
      %get3A_429 = vector.shape_cast %get3A_428 : vector<1x16xf32> to vector<16xf32>
      %max3A_430 = arith.maximumf %max3A_424, %get3A_429 : vector<16xf32>
      %get3A_431 = arith.constant 20 : i32
      %get3A_432 = arith.index_cast %get3A_431 : i32 to index
      %get3A_433 = arith.index_cast %mul3A_12 : i32 to index
      %get3A_434 = tpu.vector_load %arg4[%get3A_432, %get3A_433] {strides = array<i32>} : memref<64x256xf32, #tpu.memory_space<vmem>>, vector<1x16xf32>,
      %get3A_435 = vector.shape_cast %get3A_434 : vector<1x16xf32> to vector<16xf32>
      %max3A_436 = arith.maximumf %max3A_430, %get3A_435 : vector<16xf32>
      %get3A_437 = arith.constant 21 : i32
      %get3A_438 = arith.index_cast %get3A_437 : i32 to index
      %get3A_439 = arith.index_cast %mul3A_12 : i32 to index
      %get3A_440 = tpu.vector_load %arg4[%get3A_438, %get3A_439] {strides = array<i32>} : memref<64x256xf32, #tpu.memory_space<vmem>>, vector<1x16xf32>,
      %get3A_441 = vector.shape_cast %get3A_440 : vector<1x16xf32> to vector<16xf32>
      %max3A_442 = arith.maximumf %max3A_436, %get3A_441 : vector<16xf32>
      %get3A_443 = arith.constant 22 : i32
      %get3A_444 = arith.index_cast %get3A_443 : i32 to index
      %get3A_445 = arith.index_cast %mul3A_12 : i32 to index
      %get3A_446 = tpu.vector_load %arg4[%get3A_444, %get3A_445] {strides = array<i32>} : memref<64x256xf32, #tpu.memory_space<vmem>>, vector<1x16xf32>,
      %get3A_447 = vector.shape_cast %get3A_446 : vector<1x16xf32> to vector<16xf32>
      %max3A_448 = arith.maximumf %max3A_442, %get3A_447 : vector<16xf32>
      %get3A_449 = arith.constant 23 : i32
      %get3A_450 = arith.index_cast %get3A_449 : i32 to index
      %get3A_451 = arith.index_cast %mul3A_12 : i32 to index
      %get3A_452 = tpu.vector_load %arg4[%get3A_450, %get3A_451] {strides = array<i32>} : memref<64x256xf32, #tpu.memory_space<vmem>>, vector<1x16xf32>,
      %get3A_453 = vector.shape_cast %get3A_452 : vector<1x16xf32> to vector<16xf32>
      %max3A_454 = arith.maximumf %max3A_448, %get3A_453 : vector<16xf32>
      %get3A_455 = arith.constant 16 : i32
      %get3A_456 = arith.index_cast %get3A_455 : i32 to index
      %get3A_457 = arith.index_cast %mul3A_12 : i32 to index
      %get3A_458 = tpu.vector_load %arg4[%get3A_456, %get3A_457] {strides = array<i32>} : memref<64x256xf32, #tpu.memory_space<vmem>>, vector<1x16xf32>,
      %get3A_459 = vector.shape_cast %get3A_458 : vector<1x16xf32> to vector<16xf32>
      %eq3A_460 = arith.cmpf oeq, %get3A_459, %max3A_454 : vector<16xf32>
      %select_n3A_461 = arith.select %eq3A_460, %broadcast_in_dim3A_13, %broadcast_in_dim3A_15 : vector<16xi1>, vector<16xf32>
      %lt3A_462 = arith.constant 5.000000e-01 : f32
      %lt3A_463 = vector.broadcast %lt3A_462 : f32 to vector<16xf32>
      %lt3A_464 = arith.cmpf olt, %broadcast_in_dim3A_15, %lt3A_463 : vector<16xf32>
      %select_n3A_465 = arith.select %lt3A_464, %broadcast_in_dim3A_13, %broadcast_in_dim3A_15 : vector<16xi1>, vector<16xf32>
      %mul3A_466 = arith.mulf %select_n3A_461, %select_n3A_465 : vector<16xf32>
      %swap3A_467 = arith.constant 16 : i32
      %swap3A_468 = arith.index_cast %swap3A_467 : i32 to index
      %swap3A_469 = arith.index_cast %mul3A_12 : i32 to index
      %swap3A_470 = tpu.vector_load %arg5[%swap3A_468, %swap3A_469] {strides = array<i32>} : memref<64x256xf32, #tpu.memory_space<vmem>>, vector<1x16xf32>,
      %swap3A_471 = vector.shape_cast %swap3A_470 : vector<1x16xf32> to vector<16xf32>
      %swap3A_472 = vector.shape_cast %mul3A_466 : vector<16xf32> to vector<1x16xf32>
      tpu.vector_store %arg5[%swap3A_468, %swap3A_469], %swap3A_472 {strides = array<i32>} : memref<64x256xf32, #tpu.memory_space<vmem>>, vector<1x16xf32>,
      %add3A_473 = arith.addf %broadcast_in_dim3A_15, %mul3A_466 : vector<16xf32>
      %get3A_474 = arith.constant 17 : i32
      %get3A_475 = arith.index_cast %get3A_474 : i32 to index
      %get3A_476 = arith.index_cast %mul3A_12 : i32 to index
      %get3A_477 = tpu.vector_load %arg4[%get3A_475, %get3A_476] {strides = array<i32>} : memref<64x256xf32, #tpu.memory_space<vmem>>, vector<1x16xf32>,
      %get3A_478 = vector.shape_cast %get3A_477 : vector<1x16xf32> to vector<16xf32>
      %eq3A_479 = arith.cmpf oeq, %get3A_478, %max3A_454 : vector<16xf32>
      %select_n3A_480 = arith.select %eq3A_479, %broadcast_in_dim3A_13, %broadcast_in_dim3A_15 : vector<16xi1>, vector<16xf32>
      %lt3A_481 = arith.constant 5.000000e-01 : f32
      %lt3A_482 = vector.broadcast %lt3A_481 : f32 to vector<16xf32>
      %lt3A_483 = arith.cmpf olt, %add3A_473, %lt3A_482 : vector<16xf32>
      %select_n3A_484 = arith.select %lt3A_483, %broadcast_in_dim3A_13, %broadcast_in_dim3A_15 : vector<16xi1>, vector<16xf32>
      %mul3A_485 = arith.mulf %select_n3A_480, %select_n3A_484 : vector<16xf32>
      %swap3A_486 = arith.constant 17 : i32
      %swap3A_487 = arith.index_cast %swap3A_486 : i32 to index
      %swap3A_488 = arith.index_cast %mul3A_12 : i32 to index
      %swap3A_489 = tpu.vector_load %arg5[%swap3A_487, %swap3A_488] {strides = array<i32>} : memref<64x256xf32, #tpu.memory_space<vmem>>, vector<1x16xf32>,
      %swap3A_490 = vector.shape_cast %swap3A_489 : vector<1x16xf32> to vector<16xf32>
      %swap3A_491 = vector.shape_cast %mul3A_485 : vector<16xf32> to vector<1x16xf32>
      tpu.vector_store %arg5[%swap3A_487, %swap3A_488], %swap3A_491 {strides = array<i32>} : memref<64x256xf32, #tpu.memory_space<vmem>>, vector<1x16xf32>,
      %add3A_492 = arith.addf %add3A_473, %mul3A_485 : vector<16xf32>
      %get3A_493 = arith.constant 18 : i32
      %get3A_494 = arith.index_cast %get3A_493 : i32 to index
      %get3A_495 = arith.index_cast %mul3A_12 : i32 to index
      %get3A_496 = tpu.vector_load %arg4[%get3A_494, %get3A_495] {strides = array<i32>} : memref<64x256xf32, #tpu.memory_space<vmem>>, vector<1x16xf32>,
      %get3A_497 = vector.shape_cast %get3A_496 : vector<1x16xf32> to vector<16xf32>
      %eq3A_498 = arith.cmpf oeq, %get3A_497, %max3A_454 : vector<16xf32>
      %select_n3A_499 = arith.select %eq3A_498, %broadcast_in_dim3A_13, %broadcast_in_dim3A_15 : vector<16xi1>, vector<16xf32>
      %lt3A_500 = arith.constant 5.000000e-01 : f32
      %lt3A_501 = vector.broadcast %lt3A_500 : f32 to vector<16xf32>
      %lt3A_502 = arith.cmpf olt, %add3A_492, %lt3A_501 : vector<16xf32>
      %select_n3A_503 = arith.select %lt3A_502, %broadcast_in_dim3A_13, %broadcast_in_dim3A_15 : vector<16xi1>, vector<16xf32>
      %mul3A_504 = arith.mulf %select_n3A_499, %select_n3A_503 : vector<16xf32>
      %swap3A_505 = arith.constant 18 : i32
      %swap3A_506 = arith.index_cast %swap3A_505 : i32 to index
      %swap3A_507 = arith.index_cast %mul3A_12 : i32 to index
      %swap3A_508 = tpu.vector_load %arg5[%swap3A_506, %swap3A_507] {strides = array<i32>} : memref<64x256xf32, #tpu.memory_space<vmem>>, vector<1x16xf32>,
      %swap3A_509 = vector.shape_cast %swap3A_508 : vector<1x16xf32> to vector<16xf32>
      %swap3A_510 = vector.shape_cast %mul3A_504 : vector<16xf32> to vector<1x16xf32>
      tpu.vector_store %arg5[%swap3A_506, %swap3A_507], %swap3A_510 {strides = array<i32>} : memref<64x256xf32, #tpu.memory_space<vmem>>, vector<1x16xf32>,
      %add3A_511 = arith.addf %add3A_492, %mul3A_504 : vector<16xf32>
      %get3A_512 = arith.constant 19 : i32
      %get3A_513 = arith.index_cast %get3A_512 : i32 to index
      %get3A_514 = arith.index_cast %mul3A_12 : i32 to index
      %get3A_515 = tpu.vector_load %arg4[%get3A_513, %get3A_514] {strides = array<i32>} : memref<64x256xf32, #tpu.memory_space<vmem>>, vector<1x16xf32>,
      %get3A_516 = vector.shape_cast %get3A_515 : vector<1x16xf32> to vector<16xf32>
      %eq3A_517 = arith.cmpf oeq, %get3A_516, %max3A_454 : vector<16xf32>
      %select_n3A_518 = arith.select %eq3A_517, %broadcast_in_dim3A_13, %broadcast_in_dim3A_15 : vector<16xi1>, vector<16xf32>
      %lt3A_519 = arith.constant 5.000000e-01 : f32
      %lt3A_520 = vector.broadcast %lt3A_519 : f32 to vector<16xf32>
      %lt3A_521 = arith.cmpf olt, %add3A_511, %lt3A_520 : vector<16xf32>
      %select_n3A_522 = arith.select %lt3A_521, %broadcast_in_dim3A_13, %broadcast_in_dim3A_15 : vector<16xi1>, vector<16xf32>
      %mul3A_523 = arith.mulf %select_n3A_518, %select_n3A_522 : vector<16xf32>
      %swap3A_524 = arith.constant 19 : i32
      %swap3A_525 = arith.index_cast %swap3A_524 : i32 to index
      %swap3A_526 = arith.index_cast %mul3A_12 : i32 to index
      %swap3A_527 = tpu.vector_load %arg5[%swap3A_525, %swap3A_526] {strides = array<i32>} : memref<64x256xf32, #tpu.memory_space<vmem>>, vector<1x16xf32>,
      %swap3A_528 = vector.shape_cast %swap3A_527 : vector<1x16xf32> to vector<16xf32>
      %swap3A_529 = vector.shape_cast %mul3A_523 : vector<16xf32> to vector<1x16xf32>
      tpu.vector_store %arg5[%swap3A_525, %swap3A_526], %swap3A_529 {strides = array<i32>} : memref<64x256xf32, #tpu.memory_space<vmem>>, vector<1x16xf32>,
      %add3A_530 = arith.addf %add3A_511, %mul3A_523 : vector<16xf32>
      %get3A_531 = arith.constant 20 : i32
      %get3A_532 = arith.index_cast %get3A_531 : i32 to index
      %get3A_533 = arith.index_cast %mul3A_12 : i32 to index
      %get3A_534 = tpu.vector_load %arg4[%get3A_532, %get3A_533] {strides = array<i32>} : memref<64x256xf32, #tpu.memory_space<vmem>>, vector<1x16xf32>,
      %get3A_535 = vector.shape_cast %get3A_534 : vector<1x16xf32> to vector<16xf32>
      %eq3A_536 = arith.cmpf oeq, %get3A_535, %max3A_454 : vector<16xf32>
      %select_n3A_537 = arith.select %eq3A_536, %broadcast_in_dim3A_13, %broadcast_in_dim3A_15 : vector<16xi1>, vector<16xf32>
      %lt3A_538 = arith.constant 5.000000e-01 : f32
      %lt3A_539 = vector.broadcast %lt3A_538 : f32 to vector<16xf32>
      %lt3A_540 = arith.cmpf olt, %add3A_530, %lt3A_539 : vector<16xf32>
      %select_n3A_541 = arith.select %lt3A_540, %broadcast_in_dim3A_13, %broadcast_in_dim3A_15 : vector<16xi1>, vector<16xf32>
      %mul3A_542 = arith.mulf %select_n3A_537, %select_n3A_541 : vector<16xf32>
      %swap3A_543 = arith.constant 20 : i32
      %swap3A_544 = arith.index_cast %swap3A_543 : i32 to index
      %swap3A_545 = arith.index_cast %mul3A_12 : i32 to index
      %swap3A_546 = tpu.vector_load %arg5[%swap3A_544, %swap3A_545] {strides = array<i32>} : memref<64x256xf32, #tpu.memory_space<vmem>>, vector<1x16xf32>,
      %swap3A_547 = vector.shape_cast %swap3A_546 : vector<1x16xf32> to vector<16xf32>
      %swap3A_548 = vector.shape_cast %mul3A_542 : vector<16xf32> to vector<1x16xf32>
      tpu.vector_store %arg5[%swap3A_544, %swap3A_545], %swap3A_548 {strides = array<i32>} : memref<64x256xf32, #tpu.memory_space<vmem>>, vector<1x16xf32>,
      %add3A_549 = arith.addf %add3A_530, %mul3A_542 : vector<16xf32>
      %get3A_550 = arith.constant 21 : i32
      %get3A_551 = arith.index_cast %get3A_550 : i32 to index
      %get3A_552 = arith.index_cast %mul3A_12 : i32 to index
      %get3A_553 = tpu.vector_load %arg4[%get3A_551, %get3A_552] {strides = array<i32>} : memref<64x256xf32, #tpu.memory_space<vmem>>, vector<1x16xf32>,
      %get3A_554 = vector.shape_cast %get3A_553 : vector<1x16xf32> to vector<16xf32>
      %eq3A_555 = arith.cmpf oeq, %get3A_554, %max3A_454 : vector<16xf32>
      %select_n3A_556 = arith.select %eq3A_555, %broadcast_in_dim3A_13, %broadcast_in_dim3A_15 : vector<16xi1>, vector<16xf32>
      %lt3A_557 = arith.constant 5.000000e-01 : f32
      %lt3A_558 = vector.broadcast %lt3A_557 : f32 to vector<16xf32>
      %lt3A_559 = arith.cmpf olt, %add3A_549, %lt3A_558 : vector<16xf32>
      %select_n3A_560 = arith.select %lt3A_559, %broadcast_in_dim3A_13, %broadcast_in_dim3A_15 : vector<16xi1>, vector<16xf32>
      %mul3A_561 = arith.mulf %select_n3A_556, %select_n3A_560 : vector<16xf32>
      %swap3A_562 = arith.constant 21 : i32
      %swap3A_563 = arith.index_cast %swap3A_562 : i32 to index
      %swap3A_564 = arith.index_cast %mul3A_12 : i32 to index
      %swap3A_565 = tpu.vector_load %arg5[%swap3A_563, %swap3A_564] {strides = array<i32>} : memref<64x256xf32, #tpu.memory_space<vmem>>, vector<1x16xf32>,
      %swap3A_566 = vector.shape_cast %swap3A_565 : vector<1x16xf32> to vector<16xf32>
      %swap3A_567 = vector.shape_cast %mul3A_561 : vector<16xf32> to vector<1x16xf32>
      tpu.vector_store %arg5[%swap3A_563, %swap3A_564], %swap3A_567 {strides = array<i32>} : memref<64x256xf32, #tpu.memory_space<vmem>>, vector<1x16xf32>,
      %add3A_568 = arith.addf %add3A_549, %mul3A_561 : vector<16xf32>
      %get3A_569 = arith.constant 22 : i32
      %get3A_570 = arith.index_cast %get3A_569 : i32 to index
      %get3A_571 = arith.index_cast %mul3A_12 : i32 to index
      %get3A_572 = tpu.vector_load %arg4[%get3A_570, %get3A_571] {strides = array<i32>} : memref<64x256xf32, #tpu.memory_space<vmem>>, vector<1x16xf32>,
      %get3A_573 = vector.shape_cast %get3A_572 : vector<1x16xf32> to vector<16xf32>
      %eq3A_574 = arith.cmpf oeq, %get3A_573, %max3A_454 : vector<16xf32>
      %select_n3A_575 = arith.select %eq3A_574, %broadcast_in_dim3A_13, %broadcast_in_dim3A_15 : vector<16xi1>, vector<16xf32>
      %lt3A_576 = arith.constant 5.000000e-01 : f32
      %lt3A_577 = vector.broadcast %lt3A_576 : f32 to vector<16xf32>
      %lt3A_578 = arith.cmpf olt, %add3A_568, %lt3A_577 : vector<16xf32>
      %select_n3A_579 = arith.select %lt3A_578, %broadcast_in_dim3A_13, %broadcast_in_dim3A_15 : vector<16xi1>, vector<16xf32>
      %mul3A_580 = arith.mulf %select_n3A_575, %select_n3A_579 : vector<16xf32>
      %swap3A_581 = arith.constant 22 : i32
      %swap3A_582 = arith.index_cast %swap3A_581 : i32 to index
      %swap3A_583 = arith.index_cast %mul3A_12 : i32 to index
      %swap3A_584 = tpu.vector_load %arg5[%swap3A_582, %swap3A_583] {strides = array<i32>} : memref<64x256xf32, #tpu.memory_space<vmem>>, vector<1x16xf32>,
      %swap3A_585 = vector.shape_cast %swap3A_584 : vector<1x16xf32> to vector<16xf32>
      %swap3A_586 = vector.shape_cast %mul3A_580 : vector<16xf32> to vector<1x16xf32>
      tpu.vector_store %arg5[%swap3A_582, %swap3A_583], %swap3A_586 {strides = array<i32>} : memref<64x256xf32, #tpu.memory_space<vmem>>, vector<1x16xf32>,
      %add3A_587 = arith.addf %add3A_568, %mul3A_580 : vector<16xf32>
      %get3A_588 = arith.constant 23 : i32
      %get3A_589 = arith.index_cast %get3A_588 : i32 to index
      %get3A_590 = arith.index_cast %mul3A_12 : i32 to index
      %get3A_591 = tpu.vector_load %arg4[%get3A_589, %get3A_590] {strides = array<i32>} : memref<64x256xf32, #tpu.memory_space<vmem>>, vector<1x16xf32>,
      %get3A_592 = vector.shape_cast %get3A_591 : vector<1x16xf32> to vector<16xf32>
      %eq3A_593 = arith.cmpf oeq, %get3A_592, %max3A_454 : vector<16xf32>
      %select_n3A_594 = arith.select %eq3A_593, %broadcast_in_dim3A_13, %broadcast_in_dim3A_15 : vector<16xi1>, vector<16xf32>
      %lt3A_595 = arith.constant 5.000000e-01 : f32
      %lt3A_596 = vector.broadcast %lt3A_595 : f32 to vector<16xf32>
      %lt3A_597 = arith.cmpf olt, %add3A_587, %lt3A_596 : vector<16xf32>
      %select_n3A_598 = arith.select %lt3A_597, %broadcast_in_dim3A_13, %broadcast_in_dim3A_15 : vector<16xi1>, vector<16xf32>
      %mul3A_599 = arith.mulf %select_n3A_594, %select_n3A_598 : vector<16xf32>
      %swap3A_600 = arith.constant 23 : i32
      %swap3A_601 = arith.index_cast %swap3A_600 : i32 to index
      %swap3A_602 = arith.index_cast %mul3A_12 : i32 to index
      %swap3A_603 = tpu.vector_load %arg5[%swap3A_601, %swap3A_602] {strides = array<i32>} : memref<64x256xf32, #tpu.memory_space<vmem>>, vector<1x16xf32>,
      %swap3A_604 = vector.shape_cast %swap3A_603 : vector<1x16xf32> to vector<16xf32>
      %swap3A_605 = vector.shape_cast %mul3A_599 : vector<16xf32> to vector<1x16xf32>
      tpu.vector_store %arg5[%swap3A_601, %swap3A_602], %swap3A_605 {strides = array<i32>} : memref<64x256xf32, #tpu.memory_space<vmem>>, vector<1x16xf32>,
      %add3A_606 = arith.addf %add3A_587, %mul3A_599 : vector<16xf32>
      %get3A_607 = arith.constant 24 : i32
      %get3A_608 = arith.index_cast %get3A_607 : i32 to index
      %get3A_609 = arith.index_cast %mul3A_12 : i32 to index
      %get3A_610 = tpu.vector_load %arg4[%get3A_608, %get3A_609] {strides = array<i32>} : memref<64x256xf32, #tpu.memory_space<vmem>>, vector<1x16xf32>,
      %get3A_611 = vector.shape_cast %get3A_610 : vector<1x16xf32> to vector<16xf32>
      %get3A_612 = arith.constant 25 : i32
      %get3A_613 = arith.index_cast %get3A_612 : i32 to index
      %get3A_614 = arith.index_cast %mul3A_12 : i32 to index
      %get3A_615 = tpu.vector_load %arg4[%get3A_613, %get3A_614] {strides = array<i32>} : memref<64x256xf32, #tpu.memory_space<vmem>>, vector<1x16xf32>,
      %get3A_616 = vector.shape_cast %get3A_615 : vector<1x16xf32> to vector<16xf32>
      %max3A_617 = arith.maximumf %get3A_611, %get3A_616 : vector<16xf32>
      %get3A_618 = arith.constant 26 : i32
      %get3A_619 = arith.index_cast %get3A_618 : i32 to index
      %get3A_620 = arith.index_cast %mul3A_12 : i32 to index
      %get3A_621 = tpu.vector_load %arg4[%get3A_619, %get3A_620] {strides = array<i32>} : memref<64x256xf32, #tpu.memory_space<vmem>>, vector<1x16xf32>,
      %get3A_622 = vector.shape_cast %get3A_621 : vector<1x16xf32> to vector<16xf32>
      %max3A_623 = arith.maximumf %max3A_617, %get3A_622 : vector<16xf32>
      %get3A_624 = arith.constant 27 : i32
      %get3A_625 = arith.index_cast %get3A_624 : i32 to index
      %get3A_626 = arith.index_cast %mul3A_12 : i32 to index
      %get3A_627 = tpu.vector_load %arg4[%get3A_625, %get3A_626] {strides = array<i32>} : memref<64x256xf32, #tpu.memory_space<vmem>>, vector<1x16xf32>,
      %get3A_628 = vector.shape_cast %get3A_627 : vector<1x16xf32> to vector<16xf32>
      %max3A_629 = arith.maximumf %max3A_623, %get3A_628 : vector<16xf32>
      %get3A_630 = arith.constant 28 : i32
      %get3A_631 = arith.index_cast %get3A_630 : i32 to index
      %get3A_632 = arith.index_cast %mul3A_12 : i32 to index
      %get3A_633 = tpu.vector_load %arg4[%get3A_631, %get3A_632] {strides = array<i32>} : memref<64x256xf32, #tpu.memory_space<vmem>>, vector<1x16xf32>,
      %get3A_634 = vector.shape_cast %get3A_633 : vector<1x16xf32> to vector<16xf32>
      %max3A_635 = arith.maximumf %max3A_629, %get3A_634 : vector<16xf32>
      %get3A_636 = arith.constant 29 : i32
      %get3A_637 = arith.index_cast %get3A_636 : i32 to index
      %get3A_638 = arith.index_cast %mul3A_12 : i32 to index
      %get3A_639 = tpu.vector_load %arg4[%get3A_637, %get3A_638] {strides = array<i32>} : memref<64x256xf32, #tpu.memory_space<vmem>>, vector<1x16xf32>,
      %get3A_640 = vector.shape_cast %get3A_639 : vector<1x16xf32> to vector<16xf32>
      %max3A_641 = arith.maximumf %max3A_635, %get3A_640 : vector<16xf32>
      %get3A_642 = arith.constant 30 : i32
      %get3A_643 = arith.index_cast %get3A_642 : i32 to index
      %get3A_644 = arith.index_cast %mul3A_12 : i32 to index
      %get3A_645 = tpu.vector_load %arg4[%get3A_643, %get3A_644] {strides = array<i32>} : memref<64x256xf32, #tpu.memory_space<vmem>>, vector<1x16xf32>,
      %get3A_646 = vector.shape_cast %get3A_645 : vector<1x16xf32> to vector<16xf32>
      %max3A_647 = arith.maximumf %max3A_641, %get3A_646 : vector<16xf32>
      %get3A_648 = arith.constant 31 : i32
      %get3A_649 = arith.index_cast %get3A_648 : i32 to index
      %get3A_650 = arith.index_cast %mul3A_12 : i32 to index
      %get3A_651 = tpu.vector_load %arg4[%get3A_649, %get3A_650] {strides = array<i32>} : memref<64x256xf32, #tpu.memory_space<vmem>>, vector<1x16xf32>,
      %get3A_652 = vector.shape_cast %get3A_651 : vector<1x16xf32> to vector<16xf32>
      %max3A_653 = arith.maximumf %max3A_647, %get3A_652 : vector<16xf32>
      %get3A_654 = arith.constant 24 : i32
      %get3A_655 = arith.index_cast %get3A_654 : i32 to index
      %get3A_656 = arith.index_cast %mul3A_12 : i32 to index
      %get3A_657 = tpu.vector_load %arg4[%get3A_655, %get3A_656] {strides = array<i32>} : memref<64x256xf32, #tpu.memory_space<vmem>>, vector<1x16xf32>,
      %get3A_658 = vector.shape_cast %get3A_657 : vector<1x16xf32> to vector<16xf32>
      %eq3A_659 = arith.cmpf oeq, %get3A_658, %max3A_653 : vector<16xf32>
      %select_n3A_660 = arith.select %eq3A_659, %broadcast_in_dim3A_13, %broadcast_in_dim3A_15 : vector<16xi1>, vector<16xf32>
      %lt3A_661 = arith.constant 5.000000e-01 : f32
      %lt3A_662 = vector.broadcast %lt3A_661 : f32 to vector<16xf32>
      %lt3A_663 = arith.cmpf olt, %broadcast_in_dim3A_15, %lt3A_662 : vector<16xf32>
      %select_n3A_664 = arith.select %lt3A_663, %broadcast_in_dim3A_13, %broadcast_in_dim3A_15 : vector<16xi1>, vector<16xf32>
      %mul3A_665 = arith.mulf %select_n3A_660, %select_n3A_664 : vector<16xf32>
      %swap3A_666 = arith.constant 24 : i32
      %swap3A_667 = arith.index_cast %swap3A_666 : i32 to index
      %swap3A_668 = arith.index_cast %mul3A_12 : i32 to index
      %swap3A_669 = tpu.vector_load %arg5[%swap3A_667, %swap3A_668] {strides = array<i32>} : memref<64x256xf32, #tpu.memory_space<vmem>>, vector<1x16xf32>,
      %swap3A_670 = vector.shape_cast %swap3A_669 : vector<1x16xf32> to vector<16xf32>
      %swap3A_671 = vector.shape_cast %mul3A_665 : vector<16xf32> to vector<1x16xf32>
      tpu.vector_store %arg5[%swap3A_667, %swap3A_668], %swap3A_671 {strides = array<i32>} : memref<64x256xf32, #tpu.memory_space<vmem>>, vector<1x16xf32>,
      %add3A_672 = arith.addf %broadcast_in_dim3A_15, %mul3A_665 : vector<16xf32>
      %get3A_673 = arith.constant 25 : i32
      %get3A_674 = arith.index_cast %get3A_673 : i32 to index
      %get3A_675 = arith.index_cast %mul3A_12 : i32 to index
      %get3A_676 = tpu.vector_load %arg4[%get3A_674, %get3A_675] {strides = array<i32>} : memref<64x256xf32, #tpu.memory_space<vmem>>, vector<1x16xf32>,
      %get3A_677 = vector.shape_cast %get3A_676 : vector<1x16xf32> to vector<16xf32>
      %eq3A_678 = arith.cmpf oeq, %get3A_677, %max3A_653 : vector<16xf32>
      %select_n3A_679 = arith.select %eq3A_678, %broadcast_in_dim3A_13, %broadcast_in_dim3A_15 : vector<16xi1>, vector<16xf32>
      %lt3A_680 = arith.constant 5.000000e-01 : f32
      %lt3A_681 = vector.broadcast %lt3A_680 : f32 to vector<16xf32>
      %lt3A_682 = arith.cmpf olt, %add3A_672, %lt3A_681 : vector<16xf32>
      %select_n3A_683 = arith.select %lt3A_682, %broadcast_in_dim3A_13, %broadcast_in_dim3A_15 : vector<16xi1>, vector<16xf32>
      %mul3A_684 = arith.mulf %select_n3A_679, %select_n3A_683 : vector<16xf32>
      %swap3A_685 = arith.constant 25 : i32
      %swap3A_686 = arith.index_cast %swap3A_685 : i32 to index
      %swap3A_687 = arith.index_cast %mul3A_12 : i32 to index
      %swap3A_688 = tpu.vector_load %arg5[%swap3A_686, %swap3A_687] {strides = array<i32>} : memref<64x256xf32, #tpu.memory_space<vmem>>, vector<1x16xf32>,
      %swap3A_689 = vector.shape_cast %swap3A_688 : vector<1x16xf32> to vector<16xf32>
      %swap3A_690 = vector.shape_cast %mul3A_684 : vector<16xf32> to vector<1x16xf32>
      tpu.vector_store %arg5[%swap3A_686, %swap3A_687], %swap3A_690 {strides = array<i32>} : memref<64x256xf32, #tpu.memory_space<vmem>>, vector<1x16xf32>,
      %add3A_691 = arith.addf %add3A_672, %mul3A_684 : vector<16xf32>
      %get3A_692 = arith.constant 26 : i32
      %get3A_693 = arith.index_cast %get3A_692 : i32 to index
      %get3A_694 = arith.index_cast %mul3A_12 : i32 to index
      %get3A_695 = tpu.vector_load %arg4[%get3A_693, %get3A_694] {strides = array<i32>} : memref<64x256xf32, #tpu.memory_space<vmem>>, vector<1x16xf32>,
      %get3A_696 = vector.shape_cast %get3A_695 : vector<1x16xf32> to vector<16xf32>
      %eq3A_697 = arith.cmpf oeq, %get3A_696, %max3A_653 : vector<16xf32>
      %select_n3A_698 = arith.select %eq3A_697, %broadcast_in_dim3A_13, %broadcast_in_dim3A_15 : vector<16xi1>, vector<16xf32>
      %lt3A_699 = arith.constant 5.000000e-01 : f32
      %lt3A_700 = vector.broadcast %lt3A_699 : f32 to vector<16xf32>
      %lt3A_701 = arith.cmpf olt, %add3A_691, %lt3A_700 : vector<16xf32>
      %select_n3A_702 = arith.select %lt3A_701, %broadcast_in_dim3A_13, %broadcast_in_dim3A_15 : vector<16xi1>, vector<16xf32>
      %mul3A_703 = arith.mulf %select_n3A_698, %select_n3A_702 : vector<16xf32>
      %swap3A_704 = arith.constant 26 : i32
      %swap3A_705 = arith.index_cast %swap3A_704 : i32 to index
      %swap3A_706 = arith.index_cast %mul3A_12 : i32 to index
      %swap3A_707 = tpu.vector_load %arg5[%swap3A_705, %swap3A_706] {strides = array<i32>} : memref<64x256xf32, #tpu.memory_space<vmem>>, vector<1x16xf32>,
      %swap3A_708 = vector.shape_cast %swap3A_707 : vector<1x16xf32> to vector<16xf32>
      %swap3A_709 = vector.shape_cast %mul3A_703 : vector<16xf32> to vector<1x16xf32>
      tpu.vector_store %arg5[%swap3A_705, %swap3A_706], %swap3A_709 {strides = array<i32>} : memref<64x256xf32, #tpu.memory_space<vmem>>, vector<1x16xf32>,
      %add3A_710 = arith.addf %add3A_691, %mul3A_703 : vector<16xf32>
      %get3A_711 = arith.constant 27 : i32
      %get3A_712 = arith.index_cast %get3A_711 : i32 to index
      %get3A_713 = arith.index_cast %mul3A_12 : i32 to index
      %get3A_714 = tpu.vector_load %arg4[%get3A_712, %get3A_713] {strides = array<i32>} : memref<64x256xf32, #tpu.memory_space<vmem>>, vector<1x16xf32>,
      %get3A_715 = vector.shape_cast %get3A_714 : vector<1x16xf32> to vector<16xf32>
      %eq3A_716 = arith.cmpf oeq, %get3A_715, %max3A_653 : vector<16xf32>
      %select_n3A_717 = arith.select %eq3A_716, %broadcast_in_dim3A_13, %broadcast_in_dim3A_15 : vector<16xi1>, vector<16xf32>
      %lt3A_718 = arith.constant 5.000000e-01 : f32
      %lt3A_719 = vector.broadcast %lt3A_718 : f32 to vector<16xf32>
      %lt3A_720 = arith.cmpf olt, %add3A_710, %lt3A_719 : vector<16xf32>
      %select_n3A_721 = arith.select %lt3A_720, %broadcast_in_dim3A_13, %broadcast_in_dim3A_15 : vector<16xi1>, vector<16xf32>
      %mul3A_722 = arith.mulf %select_n3A_717, %select_n3A_721 : vector<16xf32>
      %swap3A_723 = arith.constant 27 : i32
      %swap3A_724 = arith.index_cast %swap3A_723 : i32 to index
      %swap3A_725 = arith.index_cast %mul3A_12 : i32 to index
      %swap3A_726 = tpu.vector_load %arg5[%swap3A_724, %swap3A_725] {strides = array<i32>} : memref<64x256xf32, #tpu.memory_space<vmem>>, vector<1x16xf32>,
      %swap3A_727 = vector.shape_cast %swap3A_726 : vector<1x16xf32> to vector<16xf32>
      %swap3A_728 = vector.shape_cast %mul3A_722 : vector<16xf32> to vector<1x16xf32>
      tpu.vector_store %arg5[%swap3A_724, %swap3A_725], %swap3A_728 {strides = array<i32>} : memref<64x256xf32, #tpu.memory_space<vmem>>, vector<1x16xf32>,
      %add3A_729 = arith.addf %add3A_710, %mul3A_722 : vector<16xf32>
      %get3A_730 = arith.constant 28 : i32
      %get3A_731 = arith.index_cast %get3A_730 : i32 to index
      %get3A_732 = arith.index_cast %mul3A_12 : i32 to index
      %get3A_733 = tpu.vector_load %arg4[%get3A_731, %get3A_732] {strides = array<i32>} : memref<64x256xf32, #tpu.memory_space<vmem>>, vector<1x16xf32>,
      %get3A_734 = vector.shape_cast %get3A_733 : vector<1x16xf32> to vector<16xf32>
      %eq3A_735 = arith.cmpf oeq, %get3A_734, %max3A_653 : vector<16xf32>
      %select_n3A_736 = arith.select %eq3A_735, %broadcast_in_dim3A_13, %broadcast_in_dim3A_15 : vector<16xi1>, vector<16xf32>
      %lt3A_737 = arith.constant 5.000000e-01 : f32
      %lt3A_738 = vector.broadcast %lt3A_737 : f32 to vector<16xf32>
      %lt3A_739 = arith.cmpf olt, %add3A_729, %lt3A_738 : vector<16xf32>
      %select_n3A_740 = arith.select %lt3A_739, %broadcast_in_dim3A_13, %broadcast_in_dim3A_15 : vector<16xi1>, vector<16xf32>
      %mul3A_741 = arith.mulf %select_n3A_736, %select_n3A_740 : vector<16xf32>
      %swap3A_742 = arith.constant 28 : i32
      %swap3A_743 = arith.index_cast %swap3A_742 : i32 to index
      %swap3A_744 = arith.index_cast %mul3A_12 : i32 to index
      %swap3A_745 = tpu.vector_load %arg5[%swap3A_743, %swap3A_744] {strides = array<i32>} : memref<64x256xf32, #tpu.memory_space<vmem>>, vector<1x16xf32>,
      %swap3A_746 = vector.shape_cast %swap3A_745 : vector<1x16xf32> to vector<16xf32>
      %swap3A_747 = vector.shape_cast %mul3A_741 : vector<16xf32> to vector<1x16xf32>
      tpu.vector_store %arg5[%swap3A_743, %swap3A_744], %swap3A_747 {strides = array<i32>} : memref<64x256xf32, #tpu.memory_space<vmem>>, vector<1x16xf32>,
      %add3A_748 = arith.addf %add3A_729, %mul3A_741 : vector<16xf32>
      %get3A_749 = arith.constant 29 : i32
      %get3A_750 = arith.index_cast %get3A_749 : i32 to index
      %get3A_751 = arith.index_cast %mul3A_12 : i32 to index
      %get3A_752 = tpu.vector_load %arg4[%get3A_750, %get3A_751] {strides = array<i32>} : memref<64x256xf32, #tpu.memory_space<vmem>>, vector<1x16xf32>,
      %get3A_753 = vector.shape_cast %get3A_752 : vector<1x16xf32> to vector<16xf32>
      %eq3A_754 = arith.cmpf oeq, %get3A_753, %max3A_653 : vector<16xf32>
      %select_n3A_755 = arith.select %eq3A_754, %broadcast_in_dim3A_13, %broadcast_in_dim3A_15 : vector<16xi1>, vector<16xf32>
      %lt3A_756 = arith.constant 5.000000e-01 : f32
      %lt3A_757 = vector.broadcast %lt3A_756 : f32 to vector<16xf32>
      %lt3A_758 = arith.cmpf olt, %add3A_748, %lt3A_757 : vector<16xf32>
      %select_n3A_759 = arith.select %lt3A_758, %broadcast_in_dim3A_13, %broadcast_in_dim3A_15 : vector<16xi1>, vector<16xf32>
      %mul3A_760 = arith.mulf %select_n3A_755, %select_n3A_759 : vector<16xf32>
      %swap3A_761 = arith.constant 29 : i32
      %swap3A_762 = arith.index_cast %swap3A_761 : i32 to index
      %swap3A_763 = arith.index_cast %mul3A_12 : i32 to index
      %swap3A_764 = tpu.vector_load %arg5[%swap3A_762, %swap3A_763] {strides = array<i32>} : memref<64x256xf32, #tpu.memory_space<vmem>>, vector<1x16xf32>,
      %swap3A_765 = vector.shape_cast %swap3A_764 : vector<1x16xf32> to vector<16xf32>
      %swap3A_766 = vector.shape_cast %mul3A_760 : vector<16xf32> to vector<1x16xf32>
      tpu.vector_store %arg5[%swap3A_762, %swap3A_763], %swap3A_766 {strides = array<i32>} : memref<64x256xf32, #tpu.memory_space<vmem>>, vector<1x16xf32>,
      %add3A_767 = arith.addf %add3A_748, %mul3A_760 : vector<16xf32>
      %get3A_768 = arith.constant 30 : i32
      %get3A_769 = arith.index_cast %get3A_768 : i32 to index
      %get3A_770 = arith.index_cast %mul3A_12 : i32 to index
      %get3A_771 = tpu.vector_load %arg4[%get3A_769, %get3A_770] {strides = array<i32>} : memref<64x256xf32, #tpu.memory_space<vmem>>, vector<1x16xf32>,
      %get3A_772 = vector.shape_cast %get3A_771 : vector<1x16xf32> to vector<16xf32>
      %eq3A_773 = arith.cmpf oeq, %get3A_772, %max3A_653 : vector<16xf32>
      %select_n3A_774 = arith.select %eq3A_773, %broadcast_in_dim3A_13, %broadcast_in_dim3A_15 : vector<16xi1>, vector<16xf32>
      %lt3A_775 = arith.constant 5.000000e-01 : f32
      %lt3A_776 = vector.broadcast %lt3A_775 : f32 to vector<16xf32>
      %lt3A_777 = arith.cmpf olt, %add3A_767, %lt3A_776 : vector<16xf32>
      %select_n3A_778 = arith.select %lt3A_777, %broadcast_in_dim3A_13, %broadcast_in_dim3A_15 : vector<16xi1>, vector<16xf32>
      %mul3A_779 = arith.mulf %select_n3A_774, %select_n3A_778 : vector<16xf32>
      %swap3A_780 = arith.constant 30 : i32
      %swap3A_781 = arith.index_cast %swap3A_780 : i32 to index
      %swap3A_782 = arith.index_cast %mul3A_12 : i32 to index
      %swap3A_783 = tpu.vector_load %arg5[%swap3A_781, %swap3A_782] {strides = array<i32>} : memref<64x256xf32, #tpu.memory_space<vmem>>, vector<1x16xf32>,
      %swap3A_784 = vector.shape_cast %swap3A_783 : vector<1x16xf32> to vector<16xf32>
      %swap3A_785 = vector.shape_cast %mul3A_779 : vector<16xf32> to vector<1x16xf32>
      tpu.vector_store %arg5[%swap3A_781, %swap3A_782], %swap3A_785 {strides = array<i32>} : memref<64x256xf32, #tpu.memory_space<vmem>>, vector<1x16xf32>,
      %add3A_786 = arith.addf %add3A_767, %mul3A_779 : vector<16xf32>
      %get3A_787 = arith.constant 31 : i32
      %get3A_788 = arith.index_cast %get3A_787 : i32 to index
      %get3A_789 = arith.index_cast %mul3A_12 : i32 to index
      %get3A_790 = tpu.vector_load %arg4[%get3A_788, %get3A_789] {strides = array<i32>} : memref<64x256xf32, #tpu.memory_space<vmem>>, vector<1x16xf32>,
      %get3A_791 = vector.shape_cast %get3A_790 : vector<1x16xf32> to vector<16xf32>
      %eq3A_792 = arith.cmpf oeq, %get3A_791, %max3A_653 : vector<16xf32>
      %select_n3A_793 = arith.select %eq3A_792, %broadcast_in_dim3A_13, %broadcast_in_dim3A_15 : vector<16xi1>, vector<16xf32>
      %lt3A_794 = arith.constant 5.000000e-01 : f32
      %lt3A_795 = vector.broadcast %lt3A_794 : f32 to vector<16xf32>
      %lt3A_796 = arith.cmpf olt, %add3A_786, %lt3A_795 : vector<16xf32>
      %select_n3A_797 = arith.select %lt3A_796, %broadcast_in_dim3A_13, %broadcast_in_dim3A_15 : vector<16xi1>, vector<16xf32>
      %mul3A_798 = arith.mulf %select_n3A_793, %select_n3A_797 : vector<16xf32>
      %swap3A_799 = arith.constant 31 : i32
      %swap3A_800 = arith.index_cast %swap3A_799 : i32 to index
      %swap3A_801 = arith.index_cast %mul3A_12 : i32 to index
      %swap3A_802 = tpu.vector_load %arg5[%swap3A_800, %swap3A_801] {strides = array<i32>} : memref<64x256xf32, #tpu.memory_space<vmem>>, vector<1x16xf32>,
      %swap3A_803 = vector.shape_cast %swap3A_802 : vector<1x16xf32> to vector<16xf32>
      %swap3A_804 = vector.shape_cast %mul3A_798 : vector<16xf32> to vector<1x16xf32>
      tpu.vector_store %arg5[%swap3A_800, %swap3A_801], %swap3A_804 {strides = array<i32>} : memref<64x256xf32, #tpu.memory_space<vmem>>, vector<1x16xf32>,
      %add3A_805 = arith.addf %add3A_786, %mul3A_798 : vector<16xf32>
      %get3A_806 = arith.constant 32 : i32
      %get3A_807 = arith.index_cast %get3A_806 : i32 to index
      %get3A_808 = arith.index_cast %mul3A_12 : i32 to index
      %get3A_809 = tpu.vector_load %arg4[%get3A_807, %get3A_808] {strides = array<i32>} : memref<64x256xf32, #tpu.memory_space<vmem>>, vector<1x16xf32>,
      %get3A_810 = vector.shape_cast %get3A_809 : vector<1x16xf32> to vector<16xf32>
      %get3A_811 = arith.constant 33 : i32
      %get3A_812 = arith.index_cast %get3A_811 : i32 to index
      %get3A_813 = arith.index_cast %mul3A_12 : i32 to index
      %get3A_814 = tpu.vector_load %arg4[%get3A_812, %get3A_813] {strides = array<i32>} : memref<64x256xf32, #tpu.memory_space<vmem>>, vector<1x16xf32>,
      %get3A_815 = vector.shape_cast %get3A_814 : vector<1x16xf32> to vector<16xf32>
      %max3A_816 = arith.maximumf %get3A_810, %get3A_815 : vector<16xf32>
      %get3A_817 = arith.constant 34 : i32
      %get3A_818 = arith.index_cast %get3A_817 : i32 to index
      %get3A_819 = arith.index_cast %mul3A_12 : i32 to index
      %get3A_820 = tpu.vector_load %arg4[%get3A_818, %get3A_819] {strides = array<i32>} : memref<64x256xf32, #tpu.memory_space<vmem>>, vector<1x16xf32>,
      %get3A_821 = vector.shape_cast %get3A_820 : vector<1x16xf32> to vector<16xf32>
      %max3A_822 = arith.maximumf %max3A_816, %get3A_821 : vector<16xf32>
      %get3A_823 = arith.constant 35 : i32
      %get3A_824 = arith.index_cast %get3A_823 : i32 to index
      %get3A_825 = arith.index_cast %mul3A_12 : i32 to index
      %get3A_826 = tpu.vector_load %arg4[%get3A_824, %get3A_825] {strides = array<i32>} : memref<64x256xf32, #tpu.memory_space<vmem>>, vector<1x16xf32>,
      %get3A_827 = vector.shape_cast %get3A_826 : vector<1x16xf32> to vector<16xf32>
      %max3A_828 = arith.maximumf %max3A_822, %get3A_827 : vector<16xf32>
      %get3A_829 = arith.constant 36 : i32
      %get3A_830 = arith.index_cast %get3A_829 : i32 to index
      %get3A_831 = arith.index_cast %mul3A_12 : i32 to index
      %get3A_832 = tpu.vector_load %arg4[%get3A_830, %get3A_831] {strides = array<i32>} : memref<64x256xf32, #tpu.memory_space<vmem>>, vector<1x16xf32>,
      %get3A_833 = vector.shape_cast %get3A_832 : vector<1x16xf32> to vector<16xf32>
      %max3A_834 = arith.maximumf %max3A_828, %get3A_833 : vector<16xf32>
      %get3A_835 = arith.constant 37 : i32
      %get3A_836 = arith.index_cast %get3A_835 : i32 to index
      %get3A_837 = arith.index_cast %mul3A_12 : i32 to index
      %get3A_838 = tpu.vector_load %arg4[%get3A_836, %get3A_837] {strides = array<i32>} : memref<64x256xf32, #tpu.memory_space<vmem>>, vector<1x16xf32>,
      %get3A_839 = vector.shape_cast %get3A_838 : vector<1x16xf32> to vector<16xf32>
      %max3A_840 = arith.maximumf %max3A_834, %get3A_839 : vector<16xf32>
      %get3A_841 = arith.constant 38 : i32
      %get3A_842 = arith.index_cast %get3A_841 : i32 to index
      %get3A_843 = arith.index_cast %mul3A_12 : i32 to index
      %get3A_844 = tpu.vector_load %arg4[%get3A_842, %get3A_843] {strides = array<i32>} : memref<64x256xf32, #tpu.memory_space<vmem>>, vector<1x16xf32>,
      %get3A_845 = vector.shape_cast %get3A_844 : vector<1x16xf32> to vector<16xf32>
      %max3A_846 = arith.maximumf %max3A_840, %get3A_845 : vector<16xf32>
      %get3A_847 = arith.constant 39 : i32
      %get3A_848 = arith.index_cast %get3A_847 : i32 to index
      %get3A_849 = arith.index_cast %mul3A_12 : i32 to index
      %get3A_850 = tpu.vector_load %arg4[%get3A_848, %get3A_849] {strides = array<i32>} : memref<64x256xf32, #tpu.memory_space<vmem>>, vector<1x16xf32>,
      %get3A_851 = vector.shape_cast %get3A_850 : vector<1x16xf32> to vector<16xf32>
      %max3A_852 = arith.maximumf %max3A_846, %get3A_851 : vector<16xf32>
      %get3A_853 = arith.constant 32 : i32
      %get3A_854 = arith.index_cast %get3A_853 : i32 to index
      %get3A_855 = arith.index_cast %mul3A_12 : i32 to index
      %get3A_856 = tpu.vector_load %arg4[%get3A_854, %get3A_855] {strides = array<i32>} : memref<64x256xf32, #tpu.memory_space<vmem>>, vector<1x16xf32>,
      %get3A_857 = vector.shape_cast %get3A_856 : vector<1x16xf32> to vector<16xf32>
      %eq3A_858 = arith.cmpf oeq, %get3A_857, %max3A_852 : vector<16xf32>
      %select_n3A_859 = arith.select %eq3A_858, %broadcast_in_dim3A_13, %broadcast_in_dim3A_15 : vector<16xi1>, vector<16xf32>
      %lt3A_860 = arith.constant 5.000000e-01 : f32
      %lt3A_861 = vector.broadcast %lt3A_860 : f32 to vector<16xf32>
      %lt3A_862 = arith.cmpf olt, %broadcast_in_dim3A_15, %lt3A_861 : vector<16xf32>
      %select_n3A_863 = arith.select %lt3A_862, %broadcast_in_dim3A_13, %broadcast_in_dim3A_15 : vector<16xi1>, vector<16xf32>
      %mul3A_864 = arith.mulf %select_n3A_859, %select_n3A_863 : vector<16xf32>
      %swap3A_865 = arith.constant 32 : i32
      %swap3A_866 = arith.index_cast %swap3A_865 : i32 to index
      %swap3A_867 = arith.index_cast %mul3A_12 : i32 to index
      %swap3A_868 = tpu.vector_load %arg5[%swap3A_866, %swap3A_867] {strides = array<i32>} : memref<64x256xf32, #tpu.memory_space<vmem>>, vector<1x16xf32>,
      %swap3A_869 = vector.shape_cast %swap3A_868 : vector<1x16xf32> to vector<16xf32>
      %swap3A_870 = vector.shape_cast %mul3A_864 : vector<16xf32> to vector<1x16xf32>
      tpu.vector_store %arg5[%swap3A_866, %swap3A_867], %swap3A_870 {strides = array<i32>} : memref<64x256xf32, #tpu.memory_space<vmem>>, vector<1x16xf32>,
      %add3A_871 = arith.addf %broadcast_in_dim3A_15, %mul3A_864 : vector<16xf32>
      %get3A_872 = arith.constant 33 : i32
      %get3A_873 = arith.index_cast %get3A_872 : i32 to index
      %get3A_874 = arith.index_cast %mul3A_12 : i32 to index
      %get3A_875 = tpu.vector_load %arg4[%get3A_873, %get3A_874] {strides = array<i32>} : memref<64x256xf32, #tpu.memory_space<vmem>>, vector<1x16xf32>,
      %get3A_876 = vector.shape_cast %get3A_875 : vector<1x16xf32> to vector<16xf32>
      %eq3A_877 = arith.cmpf oeq, %get3A_876, %max3A_852 : vector<16xf32>
      %select_n3A_878 = arith.select %eq3A_877, %broadcast_in_dim3A_13, %broadcast_in_dim3A_15 : vector<16xi1>, vector<16xf32>
      %lt3A_879 = arith.constant 5.000000e-01 : f32
      %lt3A_880 = vector.broadcast %lt3A_879 : f32 to vector<16xf32>
      %lt3A_881 = arith.cmpf olt, %add3A_871, %lt3A_880 : vector<16xf32>
      %select_n3A_882 = arith.select %lt3A_881, %broadcast_in_dim3A_13, %broadcast_in_dim3A_15 : vector<16xi1>, vector<16xf32>
      %mul3A_883 = arith.mulf %select_n3A_878, %select_n3A_882 : vector<16xf32>
      %swap3A_884 = arith.constant 33 : i32
      %swap3A_885 = arith.index_cast %swap3A_884 : i32 to index
      %swap3A_886 = arith.index_cast %mul3A_12 : i32 to index
      %swap3A_887 = tpu.vector_load %arg5[%swap3A_885, %swap3A_886] {strides = array<i32>} : memref<64x256xf32, #tpu.memory_space<vmem>>, vector<1x16xf32>,
      %swap3A_888 = vector.shape_cast %swap3A_887 : vector<1x16xf32> to vector<16xf32>
      %swap3A_889 = vector.shape_cast %mul3A_883 : vector<16xf32> to vector<1x16xf32>
      tpu.vector_store %arg5[%swap3A_885, %swap3A_886], %swap3A_889 {strides = array<i32>} : memref<64x256xf32, #tpu.memory_space<vmem>>, vector<1x16xf32>,
      %add3A_890 = arith.addf %add3A_871, %mul3A_883 : vector<16xf32>
      %get3A_891 = arith.constant 34 : i32
      %get3A_892 = arith.index_cast %get3A_891 : i32 to index
      %get3A_893 = arith.index_cast %mul3A_12 : i32 to index
      %get3A_894 = tpu.vector_load %arg4[%get3A_892, %get3A_893] {strides = array<i32>} : memref<64x256xf32, #tpu.memory_space<vmem>>, vector<1x16xf32>,
      %get3A_895 = vector.shape_cast %get3A_894 : vector<1x16xf32> to vector<16xf32>
      %eq3A_896 = arith.cmpf oeq, %get3A_895, %max3A_852 : vector<16xf32>
      %select_n3A_897 = arith.select %eq3A_896, %broadcast_in_dim3A_13, %broadcast_in_dim3A_15 : vector<16xi1>, vector<16xf32>
      %lt3A_898 = arith.constant 5.000000e-01 : f32
      %lt3A_899 = vector.broadcast %lt3A_898 : f32 to vector<16xf32>
      %lt3A_900 = arith.cmpf olt, %add3A_890, %lt3A_899 : vector<16xf32>
      %select_n3A_901 = arith.select %lt3A_900, %broadcast_in_dim3A_13, %broadcast_in_dim3A_15 : vector<16xi1>, vector<16xf32>
      %mul3A_902 = arith.mulf %select_n3A_897, %select_n3A_901 : vector<16xf32>
      %swap3A_903 = arith.constant 34 : i32
      %swap3A_904 = arith.index_cast %swap3A_903 : i32 to index
      %swap3A_905 = arith.index_cast %mul3A_12 : i32 to index
      %swap3A_906 = tpu.vector_load %arg5[%swap3A_904, %swap3A_905] {strides = array<i32>} : memref<64x256xf32, #tpu.memory_space<vmem>>, vector<1x16xf32>,
      %swap3A_907 = vector.shape_cast %swap3A_906 : vector<1x16xf32> to vector<16xf32>
      %swap3A_908 = vector.shape_cast %mul3A_902 : vector<16xf32> to vector<1x16xf32>
      tpu.vector_store %arg5[%swap3A_904, %swap3A_905], %swap3A_908 {strides = array<i32>} : memref<64x256xf32, #tpu.memory_space<vmem>>, vector<1x16xf32>,
      %add3A_909 = arith.addf %add3A_890, %mul3A_902 : vector<16xf32>
      %get3A_910 = arith.constant 35 : i32
      %get3A_911 = arith.index_cast %get3A_910 : i32 to index
      %get3A_912 = arith.index_cast %mul3A_12 : i32 to index
      %get3A_913 = tpu.vector_load %arg4[%get3A_911, %get3A_912] {strides = array<i32>} : memref<64x256xf32, #tpu.memory_space<vmem>>, vector<1x16xf32>,
      %get3A_914 = vector.shape_cast %get3A_913 : vector<1x16xf32> to vector<16xf32>
      %eq3A_915 = arith.cmpf oeq, %get3A_914, %max3A_852 : vector<16xf32>
      %select_n3A_916 = arith.select %eq3A_915, %broadcast_in_dim3A_13, %broadcast_in_dim3A_15 : vector<16xi1>, vector<16xf32>
      %lt3A_917 = arith.constant 5.000000e-01 : f32
      %lt3A_918 = vector.broadcast %lt3A_917 : f32 to vector<16xf32>
      %lt3A_919 = arith.cmpf olt, %add3A_909, %lt3A_918 : vector<16xf32>
      %select_n3A_920 = arith.select %lt3A_919, %broadcast_in_dim3A_13, %broadcast_in_dim3A_15 : vector<16xi1>, vector<16xf32>
      %mul3A_921 = arith.mulf %select_n3A_916, %select_n3A_920 : vector<16xf32>
      %swap3A_922 = arith.constant 35 : i32
      %swap3A_923 = arith.index_cast %swap3A_922 : i32 to index
      %swap3A_924 = arith.index_cast %mul3A_12 : i32 to index
      %swap3A_925 = tpu.vector_load %arg5[%swap3A_923, %swap3A_924] {strides = array<i32>} : memref<64x256xf32, #tpu.memory_space<vmem>>, vector<1x16xf32>,
      %swap3A_926 = vector.shape_cast %swap3A_925 : vector<1x16xf32> to vector<16xf32>
      %swap3A_927 = vector.shape_cast %mul3A_921 : vector<16xf32> to vector<1x16xf32>
      tpu.vector_store %arg5[%swap3A_923, %swap3A_924], %swap3A_927 {strides = array<i32>} : memref<64x256xf32, #tpu.memory_space<vmem>>, vector<1x16xf32>,
      %add3A_928 = arith.addf %add3A_909, %mul3A_921 : vector<16xf32>
      %get3A_929 = arith.constant 36 : i32
      %get3A_930 = arith.index_cast %get3A_929 : i32 to index
      %get3A_931 = arith.index_cast %mul3A_12 : i32 to index
      %get3A_932 = tpu.vector_load %arg4[%get3A_930, %get3A_931] {strides = array<i32>} : memref<64x256xf32, #tpu.memory_space<vmem>>, vector<1x16xf32>,
      %get3A_933 = vector.shape_cast %get3A_932 : vector<1x16xf32> to vector<16xf32>
      %eq3A_934 = arith.cmpf oeq, %get3A_933, %max3A_852 : vector<16xf32>
      %select_n3A_935 = arith.select %eq3A_934, %broadcast_in_dim3A_13, %broadcast_in_dim3A_15 : vector<16xi1>, vector<16xf32>
      %lt3A_936 = arith.constant 5.000000e-01 : f32
      %lt3A_937 = vector.broadcast %lt3A_936 : f32 to vector<16xf32>
      %lt3A_938 = arith.cmpf olt, %add3A_928, %lt3A_937 : vector<16xf32>
      %select_n3A_939 = arith.select %lt3A_938, %broadcast_in_dim3A_13, %broadcast_in_dim3A_15 : vector<16xi1>, vector<16xf32>
      %mul3A_940 = arith.mulf %select_n3A_935, %select_n3A_939 : vector<16xf32>
      %swap3A_941 = arith.constant 36 : i32
      %swap3A_942 = arith.index_cast %swap3A_941 : i32 to index
      %swap3A_943 = arith.index_cast %mul3A_12 : i32 to index
      %swap3A_944 = tpu.vector_load %arg5[%swap3A_942, %swap3A_943] {strides = array<i32>} : memref<64x256xf32, #tpu.memory_space<vmem>>, vector<1x16xf32>,
      %swap3A_945 = vector.shape_cast %swap3A_944 : vector<1x16xf32> to vector<16xf32>
      %swap3A_946 = vector.shape_cast %mul3A_940 : vector<16xf32> to vector<1x16xf32>
      tpu.vector_store %arg5[%swap3A_942, %swap3A_943], %swap3A_946 {strides = array<i32>} : memref<64x256xf32, #tpu.memory_space<vmem>>, vector<1x16xf32>,
      %add3A_947 = arith.addf %add3A_928, %mul3A_940 : vector<16xf32>
      %get3A_948 = arith.constant 37 : i32
      %get3A_949 = arith.index_cast %get3A_948 : i32 to index
      %get3A_950 = arith.index_cast %mul3A_12 : i32 to index
      %get3A_951 = tpu.vector_load %arg4[%get3A_949, %get3A_950] {strides = array<i32>} : memref<64x256xf32, #tpu.memory_space<vmem>>, vector<1x16xf32>,
      %get3A_952 = vector.shape_cast %get3A_951 : vector<1x16xf32> to vector<16xf32>
      %eq3A_953 = arith.cmpf oeq, %get3A_952, %max3A_852 : vector<16xf32>
      %select_n3A_954 = arith.select %eq3A_953, %broadcast_in_dim3A_13, %broadcast_in_dim3A_15 : vector<16xi1>, vector<16xf32>
      %lt3A_955 = arith.constant 5.000000e-01 : f32
      %lt3A_956 = vector.broadcast %lt3A_955 : f32 to vector<16xf32>
      %lt3A_957 = arith.cmpf olt, %add3A_947, %lt3A_956 : vector<16xf32>
      %select_n3A_958 = arith.select %lt3A_957, %broadcast_in_dim3A_13, %broadcast_in_dim3A_15 : vector<16xi1>, vector<16xf32>
      %mul3A_959 = arith.mulf %select_n3A_954, %select_n3A_958 : vector<16xf32>
      %swap3A_960 = arith.constant 37 : i32
      %swap3A_961 = arith.index_cast %swap3A_960 : i32 to index
      %swap3A_962 = arith.index_cast %mul3A_12 : i32 to index
      %swap3A_963 = tpu.vector_load %arg5[%swap3A_961, %swap3A_962] {strides = array<i32>} : memref<64x256xf32, #tpu.memory_space<vmem>>, vector<1x16xf32>,
      %swap3A_964 = vector.shape_cast %swap3A_963 : vector<1x16xf32> to vector<16xf32>
      %swap3A_965 = vector.shape_cast %mul3A_959 : vector<16xf32> to vector<1x16xf32>
      tpu.vector_store %arg5[%swap3A_961, %swap3A_962], %swap3A_965 {strides = array<i32>} : memref<64x256xf32, #tpu.memory_space<vmem>>, vector<1x16xf32>,
      %add3A_966 = arith.addf %add3A_947, %mul3A_959 : vector<16xf32>
      %get3A_967 = arith.constant 38 : i32
      %get3A_968 = arith.index_cast %get3A_967 : i32 to index
      %get3A_969 = arith.index_cast %mul3A_12 : i32 to index
      %get3A_970 = tpu.vector_load %arg4[%get3A_968, %get3A_969] {strides = array<i32>} : memref<64x256xf32, #tpu.memory_space<vmem>>, vector<1x16xf32>,
      %get3A_971 = vector.shape_cast %get3A_970 : vector<1x16xf32> to vector<16xf32>
      %eq3A_972 = arith.cmpf oeq, %get3A_971, %max3A_852 : vector<16xf32>
      %select_n3A_973 = arith.select %eq3A_972, %broadcast_in_dim3A_13, %broadcast_in_dim3A_15 : vector<16xi1>, vector<16xf32>
      %lt3A_974 = arith.constant 5.000000e-01 : f32
      %lt3A_975 = vector.broadcast %lt3A_974 : f32 to vector<16xf32>
      %lt3A_976 = arith.cmpf olt, %add3A_966, %lt3A_975 : vector<16xf32>
      %select_n3A_977 = arith.select %lt3A_976, %broadcast_in_dim3A_13, %broadcast_in_dim3A_15 : vector<16xi1>, vector<16xf32>
      %mul3A_978 = arith.mulf %select_n3A_973, %select_n3A_977 : vector<16xf32>
      %swap3A_979 = arith.constant 38 : i32
      %swap3A_980 = arith.index_cast %swap3A_979 : i32 to index
      %swap3A_981 = arith.index_cast %mul3A_12 : i32 to index
      %swap3A_982 = tpu.vector_load %arg5[%swap3A_980, %swap3A_981] {strides = array<i32>} : memref<64x256xf32, #tpu.memory_space<vmem>>, vector<1x16xf32>,
      %swap3A_983 = vector.shape_cast %swap3A_982 : vector<1x16xf32> to vector<16xf32>
      %swap3A_984 = vector.shape_cast %mul3A_978 : vector<16xf32> to vector<1x16xf32>
      tpu.vector_store %arg5[%swap3A_980, %swap3A_981], %swap3A_984 {strides = array<i32>} : memref<64x256xf32, #tpu.memory_space<vmem>>, vector<1x16xf32>,
      %add3A_985 = arith.addf %add3A_966, %mul3A_978 : vector<16xf32>
      %get3A_986 = arith.constant 39 : i32
      %get3A_987 = arith.index_cast %get3A_986 : i32 to index
      %get3A_988 = arith.index_cast %mul3A_12 : i32 to index
      %get3A_989 = tpu.vector_load %arg4[%get3A_987, %get3A_988] {strides = array<i32>} : memref<64x256xf32, #tpu.memory_space<vmem>>, vector<1x16xf32>,
      %get3A_990 = vector.shape_cast %get3A_989 : vector<1x16xf32> to vector<16xf32>
      %eq3A_991 = arith.cmpf oeq, %get3A_990, %max3A_852 : vector<16xf32>
      %select_n3A_992 = arith.select %eq3A_991, %broadcast_in_dim3A_13, %broadcast_in_dim3A_15 : vector<16xi1>, vector<16xf32>
      %lt3A_993 = arith.constant 5.000000e-01 : f32
      %lt3A_994 = vector.broadcast %lt3A_993 : f32 to vector<16xf32>
      %lt3A_995 = arith.cmpf olt, %add3A_985, %lt3A_994 : vector<16xf32>
      %select_n3A_996 = arith.select %lt3A_995, %broadcast_in_dim3A_13, %broadcast_in_dim3A_15 : vector<16xi1>, vector<16xf32>
      %mul3A_997 = arith.mulf %select_n3A_992, %select_n3A_996 : vector<16xf32>
      %swap3A_998 = arith.constant 39 : i32
      %swap3A_999 = arith.index_cast %swap3A_998 : i32 to index
      %swap3A_1000 = arith.index_cast %mul3A_12 : i32 to index
      %swap3A_1001 = tpu.vector_load %arg5[%swap3A_999, %swap3A_1000] {strides = array<i32>} : memref<64x256xf32, #tpu.memory_space<vmem>>, vector<1x16xf32>,
      %swap3A_1002 = vector.shape_cast %swap3A_1001 : vector<1x16xf32> to vector<16xf32>
      %swap3A_1003 = vector.shape_cast %mul3A_997 : vector<16xf32> to vector<1x16xf32>
      tpu.vector_store %arg5[%swap3A_999, %swap3A_1000], %swap3A_1003 {strides = array<i32>} : memref<64x256xf32, #tpu.memory_space<vmem>>, vector<1x16xf32>,
      %add3A_1004 = arith.addf %add3A_985, %mul3A_997 : vector<16xf32>
      %get3A_1005 = arith.constant 40 : i32
      %get3A_1006 = arith.index_cast %get3A_1005 : i32 to index
      %get3A_1007 = arith.index_cast %mul3A_12 : i32 to index
      %get3A_1008 = tpu.vector_load %arg4[%get3A_1006, %get3A_1007] {strides = array<i32>} : memref<64x256xf32, #tpu.memory_space<vmem>>, vector<1x16xf32>,
      %get3A_1009 = vector.shape_cast %get3A_1008 : vector<1x16xf32> to vector<16xf32>
      %get3A_1010 = arith.constant 41 : i32
      %get3A_1011 = arith.index_cast %get3A_1010 : i32 to index
      %get3A_1012 = arith.index_cast %mul3A_12 : i32 to index
      %get3A_1013 = tpu.vector_load %arg4[%get3A_1011, %get3A_1012] {strides = array<i32>} : memref<64x256xf32, #tpu.memory_space<vmem>>, vector<1x16xf32>,
      %get3A_1014 = vector.shape_cast %get3A_1013 : vector<1x16xf32> to vector<16xf32>
      %max3A_1015 = arith.maximumf %get3A_1009, %get3A_1014 : vector<16xf32>
      %get3A_1016 = arith.constant 42 : i32
      %get3A_1017 = arith.index_cast %get3A_1016 : i32 to index
      %get3A_1018 = arith.index_cast %mul3A_12 : i32 to index
      %get3A_1019 = tpu.vector_load %arg4[%get3A_1017, %get3A_1018] {strides = array<i32>} : memref<64x256xf32, #tpu.memory_space<vmem>>, vector<1x16xf32>,
      %get3A_1020 = vector.shape_cast %get3A_1019 : vector<1x16xf32> to vector<16xf32>
      %max3A_1021 = arith.maximumf %max3A_1015, %get3A_1020 : vector<16xf32>
      %get3A_1022 = arith.constant 43 : i32
      %get3A_1023 = arith.index_cast %get3A_1022 : i32 to index
      %get3A_1024 = arith.index_cast %mul3A_12 : i32 to index
      %get3A_1025 = tpu.vector_load %arg4[%get3A_1023, %get3A_1024] {strides = array<i32>} : memref<64x256xf32, #tpu.memory_space<vmem>>, vector<1x16xf32>,
      %get3A_1026 = vector.shape_cast %get3A_1025 : vector<1x16xf32> to vector<16xf32>
      %max3A_1027 = arith.maximumf %max3A_1021, %get3A_1026 : vector<16xf32>
      %get3A_1028 = arith.constant 44 : i32
      %get3A_1029 = arith.index_cast %get3A_1028 : i32 to index
      %get3A_1030 = arith.index_cast %mul3A_12 : i32 to index
      %get3A_1031 = tpu.vector_load %arg4[%get3A_1029, %get3A_1030] {strides = array<i32>} : memref<64x256xf32, #tpu.memory_space<vmem>>, vector<1x16xf32>,
      %get3A_1032 = vector.shape_cast %get3A_1031 : vector<1x16xf32> to vector<16xf32>
      %max3A_1033 = arith.maximumf %max3A_1027, %get3A_1032 : vector<16xf32>
      %get3A_1034 = arith.constant 45 : i32
      %get3A_1035 = arith.index_cast %get3A_1034 : i32 to index
      %get3A_1036 = arith.index_cast %mul3A_12 : i32 to index
      %get3A_1037 = tpu.vector_load %arg4[%get3A_1035, %get3A_1036] {strides = array<i32>} : memref<64x256xf32, #tpu.memory_space<vmem>>, vector<1x16xf32>,
      %get3A_1038 = vector.shape_cast %get3A_1037 : vector<1x16xf32> to vector<16xf32>
      %max3A_1039 = arith.maximumf %max3A_1033, %get3A_1038 : vector<16xf32>
      %get3A_1040 = arith.constant 46 : i32
      %get3A_1041 = arith.index_cast %get3A_1040 : i32 to index
      %get3A_1042 = arith.index_cast %mul3A_12 : i32 to index
      %get3A_1043 = tpu.vector_load %arg4[%get3A_1041, %get3A_1042] {strides = array<i32>} : memref<64x256xf32, #tpu.memory_space<vmem>>, vector<1x16xf32>,
      %get3A_1044 = vector.shape_cast %get3A_1043 : vector<1x16xf32> to vector<16xf32>
      %max3A_1045 = arith.maximumf %max3A_1039, %get3A_1044 : vector<16xf32>
      %get3A_1046 = arith.constant 47 : i32
      %get3A_1047 = arith.index_cast %get3A_1046 : i32 to index
      %get3A_1048 = arith.index_cast %mul3A_12 : i32 to index
      %get3A_1049 = tpu.vector_load %arg4[%get3A_1047, %get3A_1048] {strides = array<i32>} : memref<64x256xf32, #tpu.memory_space<vmem>>, vector<1x16xf32>,
      %get3A_1050 = vector.shape_cast %get3A_1049 : vector<1x16xf32> to vector<16xf32>
      %max3A_1051 = arith.maximumf %max3A_1045, %get3A_1050 : vector<16xf32>
      %get3A_1052 = arith.constant 40 : i32
      %get3A_1053 = arith.index_cast %get3A_1052 : i32 to index
      %get3A_1054 = arith.index_cast %mul3A_12 : i32 to index
      %get3A_1055 = tpu.vector_load %arg4[%get3A_1053, %get3A_1054] {strides = array<i32>} : memref<64x256xf32, #tpu.memory_space<vmem>>, vector<1x16xf32>,
      %get3A_1056 = vector.shape_cast %get3A_1055 : vector<1x16xf32> to vector<16xf32>
      %eq3A_1057 = arith.cmpf oeq, %get3A_1056, %max3A_1051 : vector<16xf32>
      %select_n3A_1058 = arith.select %eq3A_1057, %broadcast_in_dim3A_13, %broadcast_in_dim3A_15 : vector<16xi1>, vector<16xf32>
      %lt3A_1059 = arith.constant 5.000000e-01 : f32
      %lt3A_1060 = vector.broadcast %lt3A_1059 : f32 to vector<16xf32>
      %lt3A_1061 = arith.cmpf olt, %broadcast_in_dim3A_15, %lt3A_1060 : vector<16xf32>
      %select_n3A_1062 = arith.select %lt3A_1061, %broadcast_in_dim3A_13, %broadcast_in_dim3A_15 : vector<16xi1>, vector<16xf32>
      %mul3A_1063 = arith.mulf %select_n3A_1058, %select_n3A_1062 : vector<16xf32>
      %swap3A_1064 = arith.constant 40 : i32
      %swap3A_1065 = arith.index_cast %swap3A_1064 : i32 to index
      %swap3A_1066 = arith.index_cast %mul3A_12 : i32 to index
      %swap3A_1067 = tpu.vector_load %arg5[%swap3A_1065, %swap3A_1066] {strides = array<i32>} : memref<64x256xf32, #tpu.memory_space<vmem>>, vector<1x16xf32>,
      %swap3A_1068 = vector.shape_cast %swap3A_1067 : vector<1x16xf32> to vector<16xf32>
      %swap3A_1069 = vector.shape_cast %mul3A_1063 : vector<16xf32> to vector<1x16xf32>
      tpu.vector_store %arg5[%swap3A_1065, %swap3A_1066], %swap3A_1069 {strides = array<i32>} : memref<64x256xf32, #tpu.memory_space<vmem>>, vector<1x16xf32>,
      %add3A_1070 = arith.addf %broadcast_in_dim3A_15, %mul3A_1063 : vector<16xf32>
      %get3A_1071 = arith.constant 41 : i32
      %get3A_1072 = arith.index_cast %get3A_1071 : i32 to index
      %get3A_1073 = arith.index_cast %mul3A_12 : i32 to index
      %get3A_1074 = tpu.vector_load %arg4[%get3A_1072, %get3A_1073] {strides = array<i32>} : memref<64x256xf32, #tpu.memory_space<vmem>>, vector<1x16xf32>,
      %get3A_1075 = vector.shape_cast %get3A_1074 : vector<1x16xf32> to vector<16xf32>
      %eq3A_1076 = arith.cmpf oeq, %get3A_1075, %max3A_1051 : vector<16xf32>
      %select_n3A_1077 = arith.select %eq3A_1076, %broadcast_in_dim3A_13, %broadcast_in_dim3A_15 : vector<16xi1>, vector<16xf32>
      %lt3A_1078 = arith.constant 5.000000e-01 : f32
      %lt3A_1079 = vector.broadcast %lt3A_1078 : f32 to vector<16xf32>
      %lt3A_1080 = arith.cmpf olt, %add3A_1070, %lt3A_1079 : vector<16xf32>
      %select_n3A_1081 = arith.select %lt3A_1080, %broadcast_in_dim3A_13, %broadcast_in_dim3A_15 : vector<16xi1>, vector<16xf32>
      %mul3A_1082 = arith.mulf %select_n3A_1077, %select_n3A_1081 : vector<16xf32>
      %swap3A_1083 = arith.constant 41 : i32
      %swap3A_1084 = arith.index_cast %swap3A_1083 : i32 to index
      %swap3A_1085 = arith.index_cast %mul3A_12 : i32 to index
      %swap3A_1086 = tpu.vector_load %arg5[%swap3A_1084, %swap3A_1085] {strides = array<i32>} : memref<64x256xf32, #tpu.memory_space<vmem>>, vector<1x16xf32>,
      %swap3A_1087 = vector.shape_cast %swap3A_1086 : vector<1x16xf32> to vector<16xf32>
      %swap3A_1088 = vector.shape_cast %mul3A_1082 : vector<16xf32> to vector<1x16xf32>
      tpu.vector_store %arg5[%swap3A_1084, %swap3A_1085], %swap3A_1088 {strides = array<i32>} : memref<64x256xf32, #tpu.memory_space<vmem>>, vector<1x16xf32>,
      %add3A_1089 = arith.addf %add3A_1070, %mul3A_1082 : vector<16xf32>
      %get3A_1090 = arith.constant 42 : i32
      %get3A_1091 = arith.index_cast %get3A_1090 : i32 to index
      %get3A_1092 = arith.index_cast %mul3A_12 : i32 to index
      %get3A_1093 = tpu.vector_load %arg4[%get3A_1091, %get3A_1092] {strides = array<i32>} : memref<64x256xf32, #tpu.memory_space<vmem>>, vector<1x16xf32>,
      %get3A_1094 = vector.shape_cast %get3A_1093 : vector<1x16xf32> to vector<16xf32>
      %eq3A_1095 = arith.cmpf oeq, %get3A_1094, %max3A_1051 : vector<16xf32>
      %select_n3A_1096 = arith.select %eq3A_1095, %broadcast_in_dim3A_13, %broadcast_in_dim3A_15 : vector<16xi1>, vector<16xf32>
      %lt3A_1097 = arith.constant 5.000000e-01 : f32
      %lt3A_1098 = vector.broadcast %lt3A_1097 : f32 to vector<16xf32>
      %lt3A_1099 = arith.cmpf olt, %add3A_1089, %lt3A_1098 : vector<16xf32>
      %select_n3A_1100 = arith.select %lt3A_1099, %broadcast_in_dim3A_13, %broadcast_in_dim3A_15 : vector<16xi1>, vector<16xf32>
      %mul3A_1101 = arith.mulf %select_n3A_1096, %select_n3A_1100 : vector<16xf32>
      %swap3A_1102 = arith.constant 42 : i32
      %swap3A_1103 = arith.index_cast %swap3A_1102 : i32 to index
      %swap3A_1104 = arith.index_cast %mul3A_12 : i32 to index
      %swap3A_1105 = tpu.vector_load %arg5[%swap3A_1103, %swap3A_1104] {strides = array<i32>} : memref<64x256xf32, #tpu.memory_space<vmem>>, vector<1x16xf32>,
      %swap3A_1106 = vector.shape_cast %swap3A_1105 : vector<1x16xf32> to vector<16xf32>
      %swap3A_1107 = vector.shape_cast %mul3A_1101 : vector<16xf32> to vector<1x16xf32>
      tpu.vector_store %arg5[%swap3A_1103, %swap3A_1104], %swap3A_1107 {strides = array<i32>} : memref<64x256xf32, #tpu.memory_space<vmem>>, vector<1x16xf32>,
      %add3A_1108 = arith.addf %add3A_1089, %mul3A_1101 : vector<16xf32>
      %get3A_1109 = arith.constant 43 : i32
      %get3A_1110 = arith.index_cast %get3A_1109 : i32 to index
      %get3A_1111 = arith.index_cast %mul3A_12 : i32 to index
      %get3A_1112 = tpu.vector_load %arg4[%get3A_1110, %get3A_1111] {strides = array<i32>} : memref<64x256xf32, #tpu.memory_space<vmem>>, vector<1x16xf32>,
      %get3A_1113 = vector.shape_cast %get3A_1112 : vector<1x16xf32> to vector<16xf32>
      %eq3A_1114 = arith.cmpf oeq, %get3A_1113, %max3A_1051 : vector<16xf32>
      %select_n3A_1115 = arith.select %eq3A_1114, %broadcast_in_dim3A_13, %broadcast_in_dim3A_15 : vector<16xi1>, vector<16xf32>
      %lt3A_1116 = arith.constant 5.000000e-01 : f32
      %lt3A_1117 = vector.broadcast %lt3A_1116 : f32 to vector<16xf32>
      %lt3A_1118 = arith.cmpf olt, %add3A_1108, %lt3A_1117 : vector<16xf32>
      %select_n3A_1119 = arith.select %lt3A_1118, %broadcast_in_dim3A_13, %broadcast_in_dim3A_15 : vector<16xi1>, vector<16xf32>
      %mul3A_1120 = arith.mulf %select_n3A_1115, %select_n3A_1119 : vector<16xf32>
      %swap3A_1121 = arith.constant 43 : i32
      %swap3A_1122 = arith.index_cast %swap3A_1121 : i32 to index
      %swap3A_1123 = arith.index_cast %mul3A_12 : i32 to index
      %swap3A_1124 = tpu.vector_load %arg5[%swap3A_1122, %swap3A_1123] {strides = array<i32>} : memref<64x256xf32, #tpu.memory_space<vmem>>, vector<1x16xf32>,
      %swap3A_1125 = vector.shape_cast %swap3A_1124 : vector<1x16xf32> to vector<16xf32>
      %swap3A_1126 = vector.shape_cast %mul3A_1120 : vector<16xf32> to vector<1x16xf32>
      tpu.vector_store %arg5[%swap3A_1122, %swap3A_1123], %swap3A_1126 {strides = array<i32>} : memref<64x256xf32, #tpu.memory_space<vmem>>, vector<1x16xf32>,
      %add3A_1127 = arith.addf %add3A_1108, %mul3A_1120 : vector<16xf32>
      %get3A_1128 = arith.constant 44 : i32
      %get3A_1129 = arith.index_cast %get3A_1128 : i32 to index
      %get3A_1130 = arith.index_cast %mul3A_12 : i32 to index
      %get3A_1131 = tpu.vector_load %arg4[%get3A_1129, %get3A_1130] {strides = array<i32>} : memref<64x256xf32, #tpu.memory_space<vmem>>, vector<1x16xf32>,
      %get3A_1132 = vector.shape_cast %get3A_1131 : vector<1x16xf32> to vector<16xf32>
      %eq3A_1133 = arith.cmpf oeq, %get3A_1132, %max3A_1051 : vector<16xf32>
      %select_n3A_1134 = arith.select %eq3A_1133, %broadcast_in_dim3A_13, %broadcast_in_dim3A_15 : vector<16xi1>, vector<16xf32>
      %lt3A_1135 = arith.constant 5.000000e-01 : f32
      %lt3A_1136 = vector.broadcast %lt3A_1135 : f32 to vector<16xf32>
      %lt3A_1137 = arith.cmpf olt, %add3A_1127, %lt3A_1136 : vector<16xf32>
      %select_n3A_1138 = arith.select %lt3A_1137, %broadcast_in_dim3A_13, %broadcast_in_dim3A_15 : vector<16xi1>, vector<16xf32>
      %mul3A_1139 = arith.mulf %select_n3A_1134, %select_n3A_1138 : vector<16xf32>
      %swap3A_1140 = arith.constant 44 : i32
      %swap3A_1141 = arith.index_cast %swap3A_1140 : i32 to index
      %swap3A_1142 = arith.index_cast %mul3A_12 : i32 to index
      %swap3A_1143 = tpu.vector_load %arg5[%swap3A_1141, %swap3A_1142] {strides = array<i32>} : memref<64x256xf32, #tpu.memory_space<vmem>>, vector<1x16xf32>,
      %swap3A_1144 = vector.shape_cast %swap3A_1143 : vector<1x16xf32> to vector<16xf32>
      %swap3A_1145 = vector.shape_cast %mul3A_1139 : vector<16xf32> to vector<1x16xf32>
      tpu.vector_store %arg5[%swap3A_1141, %swap3A_1142], %swap3A_1145 {strides = array<i32>} : memref<64x256xf32, #tpu.memory_space<vmem>>, vector<1x16xf32>,
      %add3A_1146 = arith.addf %add3A_1127, %mul3A_1139 : vector<16xf32>
      %get3A_1147 = arith.constant 45 : i32
      %get3A_1148 = arith.index_cast %get3A_1147 : i32 to index
      %get3A_1149 = arith.index_cast %mul3A_12 : i32 to index
      %get3A_1150 = tpu.vector_load %arg4[%get3A_1148, %get3A_1149] {strides = array<i32>} : memref<64x256xf32, #tpu.memory_space<vmem>>, vector<1x16xf32>,
      %get3A_1151 = vector.shape_cast %get3A_1150 : vector<1x16xf32> to vector<16xf32>
      %eq3A_1152 = arith.cmpf oeq, %get3A_1151, %max3A_1051 : vector<16xf32>
      %select_n3A_1153 = arith.select %eq3A_1152, %broadcast_in_dim3A_13, %broadcast_in_dim3A_15 : vector<16xi1>, vector<16xf32>
      %lt3A_1154 = arith.constant 5.000000e-01 : f32
      %lt3A_1155 = vector.broadcast %lt3A_1154 : f32 to vector<16xf32>
      %lt3A_1156 = arith.cmpf olt, %add3A_1146, %lt3A_1155 : vector<16xf32>
      %select_n3A_1157 = arith.select %lt3A_1156, %broadcast_in_dim3A_13, %broadcast_in_dim3A_15 : vector<16xi1>, vector<16xf32>
      %mul3A_1158 = arith.mulf %select_n3A_1153, %select_n3A_1157 : vector<16xf32>
      %swap3A_1159 = arith.constant 45 : i32
      %swap3A_1160 = arith.index_cast %swap3A_1159 : i32 to index
      %swap3A_1161 = arith.index_cast %mul3A_12 : i32 to index
      %swap3A_1162 = tpu.vector_load %arg5[%swap3A_1160, %swap3A_1161] {strides = array<i32>} : memref<64x256xf32, #tpu.memory_space<vmem>>, vector<1x16xf32>,
      %swap3A_1163 = vector.shape_cast %swap3A_1162 : vector<1x16xf32> to vector<16xf32>
      %swap3A_1164 = vector.shape_cast %mul3A_1158 : vector<16xf32> to vector<1x16xf32>
      tpu.vector_store %arg5[%swap3A_1160, %swap3A_1161], %swap3A_1164 {strides = array<i32>} : memref<64x256xf32, #tpu.memory_space<vmem>>, vector<1x16xf32>,
      %add3A_1165 = arith.addf %add3A_1146, %mul3A_1158 : vector<16xf32>
      %get3A_1166 = arith.constant 46 : i32
      %get3A_1167 = arith.index_cast %get3A_1166 : i32 to index
      %get3A_1168 = arith.index_cast %mul3A_12 : i32 to index
      %get3A_1169 = tpu.vector_load %arg4[%get3A_1167, %get3A_1168] {strides = array<i32>} : memref<64x256xf32, #tpu.memory_space<vmem>>, vector<1x16xf32>,
      %get3A_1170 = vector.shape_cast %get3A_1169 : vector<1x16xf32> to vector<16xf32>
      %eq3A_1171 = arith.cmpf oeq, %get3A_1170, %max3A_1051 : vector<16xf32>
      %select_n3A_1172 = arith.select %eq3A_1171, %broadcast_in_dim3A_13, %broadcast_in_dim3A_15 : vector<16xi1>, vector<16xf32>
      %lt3A_1173 = arith.constant 5.000000e-01 : f32
      %lt3A_1174 = vector.broadcast %lt3A_1173 : f32 to vector<16xf32>
      %lt3A_1175 = arith.cmpf olt, %add3A_1165, %lt3A_1174 : vector<16xf32>
      %select_n3A_1176 = arith.select %lt3A_1175, %broadcast_in_dim3A_13, %broadcast_in_dim3A_15 : vector<16xi1>, vector<16xf32>
      %mul3A_1177 = arith.mulf %select_n3A_1172, %select_n3A_1176 : vector<16xf32>
      %swap3A_1178 = arith.constant 46 : i32
      %swap3A_1179 = arith.index_cast %swap3A_1178 : i32 to index
      %swap3A_1180 = arith.index_cast %mul3A_12 : i32 to index
      %swap3A_1181 = tpu.vector_load %arg5[%swap3A_1179, %swap3A_1180] {strides = array<i32>} : memref<64x256xf32, #tpu.memory_space<vmem>>, vector<1x16xf32>,
      %swap3A_1182 = vector.shape_cast %swap3A_1181 : vector<1x16xf32> to vector<16xf32>
      %swap3A_1183 = vector.shape_cast %mul3A_1177 : vector<16xf32> to vector<1x16xf32>
      tpu.vector_store %arg5[%swap3A_1179, %swap3A_1180], %swap3A_1183 {strides = array<i32>} : memref<64x256xf32, #tpu.memory_space<vmem>>, vector<1x16xf32>,
      %add3A_1184 = arith.addf %add3A_1165, %mul3A_1177 : vector<16xf32>
      %get3A_1185 = arith.constant 47 : i32
      %get3A_1186 = arith.index_cast %get3A_1185 : i32 to index
      %get3A_1187 = arith.index_cast %mul3A_12 : i32 to index
      %get3A_1188 = tpu.vector_load %arg4[%get3A_1186, %get3A_1187] {strides = array<i32>} : memref<64x256xf32, #tpu.memory_space<vmem>>, vector<1x16xf32>,
      %get3A_1189 = vector.shape_cast %get3A_1188 : vector<1x16xf32> to vector<16xf32>
      %eq3A_1190 = arith.cmpf oeq, %get3A_1189, %max3A_1051 : vector<16xf32>
      %select_n3A_1191 = arith.select %eq3A_1190, %broadcast_in_dim3A_13, %broadcast_in_dim3A_15 : vector<16xi1>, vector<16xf32>
      %lt3A_1192 = arith.constant 5.000000e-01 : f32
      %lt3A_1193 = vector.broadcast %lt3A_1192 : f32 to vector<16xf32>
      %lt3A_1194 = arith.cmpf olt, %add3A_1184, %lt3A_1193 : vector<16xf32>
      %select_n3A_1195 = arith.select %lt3A_1194, %broadcast_in_dim3A_13, %broadcast_in_dim3A_15 : vector<16xi1>, vector<16xf32>
      %mul3A_1196 = arith.mulf %select_n3A_1191, %select_n3A_1195 : vector<16xf32>
      %swap3A_1197 = arith.constant 47 : i32
      %swap3A_1198 = arith.index_cast %swap3A_1197 : i32 to index
      %swap3A_1199 = arith.index_cast %mul3A_12 : i32 to index
      %swap3A_1200 = tpu.vector_load %arg5[%swap3A_1198, %swap3A_1199] {strides = array<i32>} : memref<64x256xf32, #tpu.memory_space<vmem>>, vector<1x16xf32>,
      %swap3A_1201 = vector.shape_cast %swap3A_1200 : vector<1x16xf32> to vector<16xf32>
      %swap3A_1202 = vector.shape_cast %mul3A_1196 : vector<16xf32> to vector<1x16xf32>
      tpu.vector_store %arg5[%swap3A_1198, %swap3A_1199], %swap3A_1202 {strides = array<i32>} : memref<64x256xf32, #tpu.memory_space<vmem>>, vector<1x16xf32>,
      %add3A_1203 = arith.addf %add3A_1184, %mul3A_1196 : vector<16xf32>
      %get3A_1204 = arith.constant 48 : i32
      %get3A_1205 = arith.index_cast %get3A_1204 : i32 to index
      %get3A_1206 = arith.index_cast %mul3A_12 : i32 to index
      %get3A_1207 = tpu.vector_load %arg4[%get3A_1205, %get3A_1206] {strides = array<i32>} : memref<64x256xf32, #tpu.memory_space<vmem>>, vector<1x16xf32>,
      %get3A_1208 = vector.shape_cast %get3A_1207 : vector<1x16xf32> to vector<16xf32>
      %get3A_1209 = arith.constant 49 : i32
      %get3A_1210 = arith.index_cast %get3A_1209 : i32 to index
      %get3A_1211 = arith.index_cast %mul3A_12 : i32 to index
      %get3A_1212 = tpu.vector_load %arg4[%get3A_1210, %get3A_1211] {strides = array<i32>} : memref<64x256xf32, #tpu.memory_space<vmem>>, vector<1x16xf32>,
      %get3A_1213 = vector.shape_cast %get3A_1212 : vector<1x16xf32> to vector<16xf32>
      %max3A_1214 = arith.maximumf %get3A_1208, %get3A_1213 : vector<16xf32>
      %get3A_1215 = arith.constant 50 : i32
      %get3A_1216 = arith.index_cast %get3A_1215 : i32 to index
      %get3A_1217 = arith.index_cast %mul3A_12 : i32 to index
      %get3A_1218 = tpu.vector_load %arg4[%get3A_1216, %get3A_1217] {strides = array<i32>} : memref<64x256xf32, #tpu.memory_space<vmem>>, vector<1x16xf32>,
      %get3A_1219 = vector.shape_cast %get3A_1218 : vector<1x16xf32> to vector<16xf32>
      %max3A_1220 = arith.maximumf %max3A_1214, %get3A_1219 : vector<16xf32>
      %get3A_1221 = arith.constant 51 : i32
      %get3A_1222 = arith.index_cast %get3A_1221 : i32 to index
      %get3A_1223 = arith.index_cast %mul3A_12 : i32 to index
      %get3A_1224 = tpu.vector_load %arg4[%get3A_1222, %get3A_1223] {strides = array<i32>} : memref<64x256xf32, #tpu.memory_space<vmem>>, vector<1x16xf32>,
      %get3A_1225 = vector.shape_cast %get3A_1224 : vector<1x16xf32> to vector<16xf32>
      %max3A_1226 = arith.maximumf %max3A_1220, %get3A_1225 : vector<16xf32>
      %get3A_1227 = arith.constant 52 : i32
      %get3A_1228 = arith.index_cast %get3A_1227 : i32 to index
      %get3A_1229 = arith.index_cast %mul3A_12 : i32 to index
      %get3A_1230 = tpu.vector_load %arg4[%get3A_1228, %get3A_1229] {strides = array<i32>} : memref<64x256xf32, #tpu.memory_space<vmem>>, vector<1x16xf32>,
      %get3A_1231 = vector.shape_cast %get3A_1230 : vector<1x16xf32> to vector<16xf32>
      %max3A_1232 = arith.maximumf %max3A_1226, %get3A_1231 : vector<16xf32>
      %get3A_1233 = arith.constant 53 : i32
      %get3A_1234 = arith.index_cast %get3A_1233 : i32 to index
      %get3A_1235 = arith.index_cast %mul3A_12 : i32 to index
      %get3A_1236 = tpu.vector_load %arg4[%get3A_1234, %get3A_1235] {strides = array<i32>} : memref<64x256xf32, #tpu.memory_space<vmem>>, vector<1x16xf32>,
      %get3A_1237 = vector.shape_cast %get3A_1236 : vector<1x16xf32> to vector<16xf32>
      %max3A_1238 = arith.maximumf %max3A_1232, %get3A_1237 : vector<16xf32>
      %get3A_1239 = arith.constant 54 : i32
      %get3A_1240 = arith.index_cast %get3A_1239 : i32 to index
      %get3A_1241 = arith.index_cast %mul3A_12 : i32 to index
      %get3A_1242 = tpu.vector_load %arg4[%get3A_1240, %get3A_1241] {strides = array<i32>} : memref<64x256xf32, #tpu.memory_space<vmem>>, vector<1x16xf32>,
      %get3A_1243 = vector.shape_cast %get3A_1242 : vector<1x16xf32> to vector<16xf32>
      %max3A_1244 = arith.maximumf %max3A_1238, %get3A_1243 : vector<16xf32>
      %get3A_1245 = arith.constant 55 : i32
      %get3A_1246 = arith.index_cast %get3A_1245 : i32 to index
      %get3A_1247 = arith.index_cast %mul3A_12 : i32 to index
      %get3A_1248 = tpu.vector_load %arg4[%get3A_1246, %get3A_1247] {strides = array<i32>} : memref<64x256xf32, #tpu.memory_space<vmem>>, vector<1x16xf32>,
      %get3A_1249 = vector.shape_cast %get3A_1248 : vector<1x16xf32> to vector<16xf32>
      %max3A_1250 = arith.maximumf %max3A_1244, %get3A_1249 : vector<16xf32>
      %get3A_1251 = arith.constant 48 : i32
      %get3A_1252 = arith.index_cast %get3A_1251 : i32 to index
      %get3A_1253 = arith.index_cast %mul3A_12 : i32 to index
      %get3A_1254 = tpu.vector_load %arg4[%get3A_1252, %get3A_1253] {strides = array<i32>} : memref<64x256xf32, #tpu.memory_space<vmem>>, vector<1x16xf32>,
      %get3A_1255 = vector.shape_cast %get3A_1254 : vector<1x16xf32> to vector<16xf32>
      %eq3A_1256 = arith.cmpf oeq, %get3A_1255, %max3A_1250 : vector<16xf32>
      %select_n3A_1257 = arith.select %eq3A_1256, %broadcast_in_dim3A_13, %broadcast_in_dim3A_15 : vector<16xi1>, vector<16xf32>
      %lt3A_1258 = arith.constant 5.000000e-01 : f32
      %lt3A_1259 = vector.broadcast %lt3A_1258 : f32 to vector<16xf32>
      %lt3A_1260 = arith.cmpf olt, %broadcast_in_dim3A_15, %lt3A_1259 : vector<16xf32>
      %select_n3A_1261 = arith.select %lt3A_1260, %broadcast_in_dim3A_13, %broadcast_in_dim3A_15 : vector<16xi1>, vector<16xf32>
      %mul3A_1262 = arith.mulf %select_n3A_1257, %select_n3A_1261 : vector<16xf32>
      %swap3A_1263 = arith.constant 48 : i32
      %swap3A_1264 = arith.index_cast %swap3A_1263 : i32 to index
      %swap3A_1265 = arith.index_cast %mul3A_12 : i32 to index
      %swap3A_1266 = tpu.vector_load %arg5[%swap3A_1264, %swap3A_1265] {strides = array<i32>} : memref<64x256xf32, #tpu.memory_space<vmem>>, vector<1x16xf32>,
      %swap3A_1267 = vector.shape_cast %swap3A_1266 : vector<1x16xf32> to vector<16xf32>
      %swap3A_1268 = vector.shape_cast %mul3A_1262 : vector<16xf32> to vector<1x16xf32>
      tpu.vector_store %arg5[%swap3A_1264, %swap3A_1265], %swap3A_1268 {strides = array<i32>} : memref<64x256xf32, #tpu.memory_space<vmem>>, vector<1x16xf32>,
      %add3A_1269 = arith.addf %broadcast_in_dim3A_15, %mul3A_1262 : vector<16xf32>
      %get3A_1270 = arith.constant 49 : i32
      %get3A_1271 = arith.index_cast %get3A_1270 : i32 to index
      %get3A_1272 = arith.index_cast %mul3A_12 : i32 to index
      %get3A_1273 = tpu.vector_load %arg4[%get3A_1271, %get3A_1272] {strides = array<i32>} : memref<64x256xf32, #tpu.memory_space<vmem>>, vector<1x16xf32>,
      %get3A_1274 = vector.shape_cast %get3A_1273 : vector<1x16xf32> to vector<16xf32>
      %eq3A_1275 = arith.cmpf oeq, %get3A_1274, %max3A_1250 : vector<16xf32>
      %select_n3A_1276 = arith.select %eq3A_1275, %broadcast_in_dim3A_13, %broadcast_in_dim3A_15 : vector<16xi1>, vector<16xf32>
      %lt3A_1277 = arith.constant 5.000000e-01 : f32
      %lt3A_1278 = vector.broadcast %lt3A_1277 : f32 to vector<16xf32>
      %lt3A_1279 = arith.cmpf olt, %add3A_1269, %lt3A_1278 : vector<16xf32>
      %select_n3A_1280 = arith.select %lt3A_1279, %broadcast_in_dim3A_13, %broadcast_in_dim3A_15 : vector<16xi1>, vector<16xf32>
      %mul3A_1281 = arith.mulf %select_n3A_1276, %select_n3A_1280 : vector<16xf32>
      %swap3A_1282 = arith.constant 49 : i32
      %swap3A_1283 = arith.index_cast %swap3A_1282 : i32 to index
      %swap3A_1284 = arith.index_cast %mul3A_12 : i32 to index
      %swap3A_1285 = tpu.vector_load %arg5[%swap3A_1283, %swap3A_1284] {strides = array<i32>} : memref<64x256xf32, #tpu.memory_space<vmem>>, vector<1x16xf32>,
      %swap3A_1286 = vector.shape_cast %swap3A_1285 : vector<1x16xf32> to vector<16xf32>
      %swap3A_1287 = vector.shape_cast %mul3A_1281 : vector<16xf32> to vector<1x16xf32>
      tpu.vector_store %arg5[%swap3A_1283, %swap3A_1284], %swap3A_1287 {strides = array<i32>} : memref<64x256xf32, #tpu.memory_space<vmem>>, vector<1x16xf32>,
      %add3A_1288 = arith.addf %add3A_1269, %mul3A_1281 : vector<16xf32>
      %get3A_1289 = arith.constant 50 : i32
      %get3A_1290 = arith.index_cast %get3A_1289 : i32 to index
      %get3A_1291 = arith.index_cast %mul3A_12 : i32 to index
      %get3A_1292 = tpu.vector_load %arg4[%get3A_1290, %get3A_1291] {strides = array<i32>} : memref<64x256xf32, #tpu.memory_space<vmem>>, vector<1x16xf32>,
      %get3A_1293 = vector.shape_cast %get3A_1292 : vector<1x16xf32> to vector<16xf32>
      %eq3A_1294 = arith.cmpf oeq, %get3A_1293, %max3A_1250 : vector<16xf32>
      %select_n3A_1295 = arith.select %eq3A_1294, %broadcast_in_dim3A_13, %broadcast_in_dim3A_15 : vector<16xi1>, vector<16xf32>
      %lt3A_1296 = arith.constant 5.000000e-01 : f32
      %lt3A_1297 = vector.broadcast %lt3A_1296 : f32 to vector<16xf32>
      %lt3A_1298 = arith.cmpf olt, %add3A_1288, %lt3A_1297 : vector<16xf32>
      %select_n3A_1299 = arith.select %lt3A_1298, %broadcast_in_dim3A_13, %broadcast_in_dim3A_15 : vector<16xi1>, vector<16xf32>
      %mul3A_1300 = arith.mulf %select_n3A_1295, %select_n3A_1299 : vector<16xf32>
      %swap3A_1301 = arith.constant 50 : i32
      %swap3A_1302 = arith.index_cast %swap3A_1301 : i32 to index
      %swap3A_1303 = arith.index_cast %mul3A_12 : i32 to index
      %swap3A_1304 = tpu.vector_load %arg5[%swap3A_1302, %swap3A_1303] {strides = array<i32>} : memref<64x256xf32, #tpu.memory_space<vmem>>, vector<1x16xf32>,
      %swap3A_1305 = vector.shape_cast %swap3A_1304 : vector<1x16xf32> to vector<16xf32>
      %swap3A_1306 = vector.shape_cast %mul3A_1300 : vector<16xf32> to vector<1x16xf32>
      tpu.vector_store %arg5[%swap3A_1302, %swap3A_1303], %swap3A_1306 {strides = array<i32>} : memref<64x256xf32, #tpu.memory_space<vmem>>, vector<1x16xf32>,
      %add3A_1307 = arith.addf %add3A_1288, %mul3A_1300 : vector<16xf32>
      %get3A_1308 = arith.constant 51 : i32
      %get3A_1309 = arith.index_cast %get3A_1308 : i32 to index
      %get3A_1310 = arith.index_cast %mul3A_12 : i32 to index
      %get3A_1311 = tpu.vector_load %arg4[%get3A_1309, %get3A_1310] {strides = array<i32>} : memref<64x256xf32, #tpu.memory_space<vmem>>, vector<1x16xf32>,
      %get3A_1312 = vector.shape_cast %get3A_1311 : vector<1x16xf32> to vector<16xf32>
      %eq3A_1313 = arith.cmpf oeq, %get3A_1312, %max3A_1250 : vector<16xf32>
      %select_n3A_1314 = arith.select %eq3A_1313, %broadcast_in_dim3A_13, %broadcast_in_dim3A_15 : vector<16xi1>, vector<16xf32>
      %lt3A_1315 = arith.constant 5.000000e-01 : f32
      %lt3A_1316 = vector.broadcast %lt3A_1315 : f32 to vector<16xf32>
      %lt3A_1317 = arith.cmpf olt, %add3A_1307, %lt3A_1316 : vector<16xf32>
      %select_n3A_1318 = arith.select %lt3A_1317, %broadcast_in_dim3A_13, %broadcast_in_dim3A_15 : vector<16xi1>, vector<16xf32>
      %mul3A_1319 = arith.mulf %select_n3A_1314, %select_n3A_1318 : vector<16xf32>
      %swap3A_1320 = arith.constant 51 : i32
      %swap3A_1321 = arith.index_cast %swap3A_1320 : i32 to index
      %swap3A_1322 = arith.index_cast %mul3A_12 : i32 to index
      %swap3A_1323 = tpu.vector_load %arg5[%swap3A_1321, %swap3A_1322] {strides = array<i32>} : memref<64x256xf32, #tpu.memory_space<vmem>>, vector<1x16xf32>,
      %swap3A_1324 = vector.shape_cast %swap3A_1323 : vector<1x16xf32> to vector<16xf32>
      %swap3A_1325 = vector.shape_cast %mul3A_1319 : vector<16xf32> to vector<1x16xf32>
      tpu.vector_store %arg5[%swap3A_1321, %swap3A_1322], %swap3A_1325 {strides = array<i32>} : memref<64x256xf32, #tpu.memory_space<vmem>>, vector<1x16xf32>,
      %add3A_1326 = arith.addf %add3A_1307, %mul3A_1319 : vector<16xf32>
      %get3A_1327 = arith.constant 52 : i32
      %get3A_1328 = arith.index_cast %get3A_1327 : i32 to index
      %get3A_1329 = arith.index_cast %mul3A_12 : i32 to index
      %get3A_1330 = tpu.vector_load %arg4[%get3A_1328, %get3A_1329] {strides = array<i32>} : memref<64x256xf32, #tpu.memory_space<vmem>>, vector<1x16xf32>,
      %get3A_1331 = vector.shape_cast %get3A_1330 : vector<1x16xf32> to vector<16xf32>
      %eq3A_1332 = arith.cmpf oeq, %get3A_1331, %max3A_1250 : vector<16xf32>
      %select_n3A_1333 = arith.select %eq3A_1332, %broadcast_in_dim3A_13, %broadcast_in_dim3A_15 : vector<16xi1>, vector<16xf32>
      %lt3A_1334 = arith.constant 5.000000e-01 : f32
      %lt3A_1335 = vector.broadcast %lt3A_1334 : f32 to vector<16xf32>
      %lt3A_1336 = arith.cmpf olt, %add3A_1326, %lt3A_1335 : vector<16xf32>
      %select_n3A_1337 = arith.select %lt3A_1336, %broadcast_in_dim3A_13, %broadcast_in_dim3A_15 : vector<16xi1>, vector<16xf32>
      %mul3A_1338 = arith.mulf %select_n3A_1333, %select_n3A_1337 : vector<16xf32>
      %swap3A_1339 = arith.constant 52 : i32
      %swap3A_1340 = arith.index_cast %swap3A_1339 : i32 to index
      %swap3A_1341 = arith.index_cast %mul3A_12 : i32 to index
      %swap3A_1342 = tpu.vector_load %arg5[%swap3A_1340, %swap3A_1341] {strides = array<i32>} : memref<64x256xf32, #tpu.memory_space<vmem>>, vector<1x16xf32>,
      %swap3A_1343 = vector.shape_cast %swap3A_1342 : vector<1x16xf32> to vector<16xf32>
      %swap3A_1344 = vector.shape_cast %mul3A_1338 : vector<16xf32> to vector<1x16xf32>
      tpu.vector_store %arg5[%swap3A_1340, %swap3A_1341], %swap3A_1344 {strides = array<i32>} : memref<64x256xf32, #tpu.memory_space<vmem>>, vector<1x16xf32>,
      %add3A_1345 = arith.addf %add3A_1326, %mul3A_1338 : vector<16xf32>
      %get3A_1346 = arith.constant 53 : i32
      %get3A_1347 = arith.index_cast %get3A_1346 : i32 to index
      %get3A_1348 = arith.index_cast %mul3A_12 : i32 to index
      %get3A_1349 = tpu.vector_load %arg4[%get3A_1347, %get3A_1348] {strides = array<i32>} : memref<64x256xf32, #tpu.memory_space<vmem>>, vector<1x16xf32>,
      %get3A_1350 = vector.shape_cast %get3A_1349 : vector<1x16xf32> to vector<16xf32>
      %eq3A_1351 = arith.cmpf oeq, %get3A_1350, %max3A_1250 : vector<16xf32>
      %select_n3A_1352 = arith.select %eq3A_1351, %broadcast_in_dim3A_13, %broadcast_in_dim3A_15 : vector<16xi1>, vector<16xf32>
      %lt3A_1353 = arith.constant 5.000000e-01 : f32
      %lt3A_1354 = vector.broadcast %lt3A_1353 : f32 to vector<16xf32>
      %lt3A_1355 = arith.cmpf olt, %add3A_1345, %lt3A_1354 : vector<16xf32>
      %select_n3A_1356 = arith.select %lt3A_1355, %broadcast_in_dim3A_13, %broadcast_in_dim3A_15 : vector<16xi1>, vector<16xf32>
      %mul3A_1357 = arith.mulf %select_n3A_1352, %select_n3A_1356 : vector<16xf32>
      %swap3A_1358 = arith.constant 53 : i32
      %swap3A_1359 = arith.index_cast %swap3A_1358 : i32 to index
      %swap3A_1360 = arith.index_cast %mul3A_12 : i32 to index
      %swap3A_1361 = tpu.vector_load %arg5[%swap3A_1359, %swap3A_1360] {strides = array<i32>} : memref<64x256xf32, #tpu.memory_space<vmem>>, vector<1x16xf32>,
      %swap3A_1362 = vector.shape_cast %swap3A_1361 : vector<1x16xf32> to vector<16xf32>
      %swap3A_1363 = vector.shape_cast %mul3A_1357 : vector<16xf32> to vector<1x16xf32>
      tpu.vector_store %arg5[%swap3A_1359, %swap3A_1360], %swap3A_1363 {strides = array<i32>} : memref<64x256xf32, #tpu.memory_space<vmem>>, vector<1x16xf32>,
      %add3A_1364 = arith.addf %add3A_1345, %mul3A_1357 : vector<16xf32>
      %get3A_1365 = arith.constant 54 : i32
      %get3A_1366 = arith.index_cast %get3A_1365 : i32 to index
      %get3A_1367 = arith.index_cast %mul3A_12 : i32 to index
      %get3A_1368 = tpu.vector_load %arg4[%get3A_1366, %get3A_1367] {strides = array<i32>} : memref<64x256xf32, #tpu.memory_space<vmem>>, vector<1x16xf32>,
      %get3A_1369 = vector.shape_cast %get3A_1368 : vector<1x16xf32> to vector<16xf32>
      %eq3A_1370 = arith.cmpf oeq, %get3A_1369, %max3A_1250 : vector<16xf32>
      %select_n3A_1371 = arith.select %eq3A_1370, %broadcast_in_dim3A_13, %broadcast_in_dim3A_15 : vector<16xi1>, vector<16xf32>
      %lt3A_1372 = arith.constant 5.000000e-01 : f32
      %lt3A_1373 = vector.broadcast %lt3A_1372 : f32 to vector<16xf32>
      %lt3A_1374 = arith.cmpf olt, %add3A_1364, %lt3A_1373 : vector<16xf32>
      %select_n3A_1375 = arith.select %lt3A_1374, %broadcast_in_dim3A_13, %broadcast_in_dim3A_15 : vector<16xi1>, vector<16xf32>
      %mul3A_1376 = arith.mulf %select_n3A_1371, %select_n3A_1375 : vector<16xf32>
      %swap3A_1377 = arith.constant 54 : i32
      %swap3A_1378 = arith.index_cast %swap3A_1377 : i32 to index
      %swap3A_1379 = arith.index_cast %mul3A_12 : i32 to index
      %swap3A_1380 = tpu.vector_load %arg5[%swap3A_1378, %swap3A_1379] {strides = array<i32>} : memref<64x256xf32, #tpu.memory_space<vmem>>, vector<1x16xf32>,
      %swap3A_1381 = vector.shape_cast %swap3A_1380 : vector<1x16xf32> to vector<16xf32>
      %swap3A_1382 = vector.shape_cast %mul3A_1376 : vector<16xf32> to vector<1x16xf32>
      tpu.vector_store %arg5[%swap3A_1378, %swap3A_1379], %swap3A_1382 {strides = array<i32>} : memref<64x256xf32, #tpu.memory_space<vmem>>, vector<1x16xf32>,
      %add3A_1383 = arith.addf %add3A_1364, %mul3A_1376 : vector<16xf32>
      %get3A_1384 = arith.constant 55 : i32
      %get3A_1385 = arith.index_cast %get3A_1384 : i32 to index
      %get3A_1386 = arith.index_cast %mul3A_12 : i32 to index
      %get3A_1387 = tpu.vector_load %arg4[%get3A_1385, %get3A_1386] {strides = array<i32>} : memref<64x256xf32, #tpu.memory_space<vmem>>, vector<1x16xf32>,
      %get3A_1388 = vector.shape_cast %get3A_1387 : vector<1x16xf32> to vector<16xf32>
      %eq3A_1389 = arith.cmpf oeq, %get3A_1388, %max3A_1250 : vector<16xf32>
      %select_n3A_1390 = arith.select %eq3A_1389, %broadcast_in_dim3A_13, %broadcast_in_dim3A_15 : vector<16xi1>, vector<16xf32>
      %lt3A_1391 = arith.constant 5.000000e-01 : f32
      %lt3A_1392 = vector.broadcast %lt3A_1391 : f32 to vector<16xf32>
      %lt3A_1393 = arith.cmpf olt, %add3A_1383, %lt3A_1392 : vector<16xf32>
      %select_n3A_1394 = arith.select %lt3A_1393, %broadcast_in_dim3A_13, %broadcast_in_dim3A_15 : vector<16xi1>, vector<16xf32>
      %mul3A_1395 = arith.mulf %select_n3A_1390, %select_n3A_1394 : vector<16xf32>
      %swap3A_1396 = arith.constant 55 : i32
      %swap3A_1397 = arith.index_cast %swap3A_1396 : i32 to index
      %swap3A_1398 = arith.index_cast %mul3A_12 : i32 to index
      %swap3A_1399 = tpu.vector_load %arg5[%swap3A_1397, %swap3A_1398] {strides = array<i32>} : memref<64x256xf32, #tpu.memory_space<vmem>>, vector<1x16xf32>,
      %swap3A_1400 = vector.shape_cast %swap3A_1399 : vector<1x16xf32> to vector<16xf32>
      %swap3A_1401 = vector.shape_cast %mul3A_1395 : vector<16xf32> to vector<1x16xf32>
      tpu.vector_store %arg5[%swap3A_1397, %swap3A_1398], %swap3A_1401 {strides = array<i32>} : memref<64x256xf32, #tpu.memory_space<vmem>>, vector<1x16xf32>,
      %add3A_1402 = arith.addf %add3A_1383, %mul3A_1395 : vector<16xf32>
      %get3A_1403 = arith.constant 56 : i32
      %get3A_1404 = arith.index_cast %get3A_1403 : i32 to index
      %get3A_1405 = arith.index_cast %mul3A_12 : i32 to index
      %get3A_1406 = tpu.vector_load %arg4[%get3A_1404, %get3A_1405] {strides = array<i32>} : memref<64x256xf32, #tpu.memory_space<vmem>>, vector<1x16xf32>,
      %get3A_1407 = vector.shape_cast %get3A_1406 : vector<1x16xf32> to vector<16xf32>
      %get3A_1408 = arith.constant 57 : i32
      %get3A_1409 = arith.index_cast %get3A_1408 : i32 to index
      %get3A_1410 = arith.index_cast %mul3A_12 : i32 to index
      %get3A_1411 = tpu.vector_load %arg4[%get3A_1409, %get3A_1410] {strides = array<i32>} : memref<64x256xf32, #tpu.memory_space<vmem>>, vector<1x16xf32>,
      %get3A_1412 = vector.shape_cast %get3A_1411 : vector<1x16xf32> to vector<16xf32>
      %max3A_1413 = arith.maximumf %get3A_1407, %get3A_1412 : vector<16xf32>
      %get3A_1414 = arith.constant 58 : i32
      %get3A_1415 = arith.index_cast %get3A_1414 : i32 to index
      %get3A_1416 = arith.index_cast %mul3A_12 : i32 to index
      %get3A_1417 = tpu.vector_load %arg4[%get3A_1415, %get3A_1416] {strides = array<i32>} : memref<64x256xf32, #tpu.memory_space<vmem>>, vector<1x16xf32>,
      %get3A_1418 = vector.shape_cast %get3A_1417 : vector<1x16xf32> to vector<16xf32>
      %max3A_1419 = arith.maximumf %max3A_1413, %get3A_1418 : vector<16xf32>
      %get3A_1420 = arith.constant 59 : i32
      %get3A_1421 = arith.index_cast %get3A_1420 : i32 to index
      %get3A_1422 = arith.index_cast %mul3A_12 : i32 to index
      %get3A_1423 = tpu.vector_load %arg4[%get3A_1421, %get3A_1422] {strides = array<i32>} : memref<64x256xf32, #tpu.memory_space<vmem>>, vector<1x16xf32>,
      %get3A_1424 = vector.shape_cast %get3A_1423 : vector<1x16xf32> to vector<16xf32>
      %max3A_1425 = arith.maximumf %max3A_1419, %get3A_1424 : vector<16xf32>
      %get3A_1426 = arith.constant 60 : i32
      %get3A_1427 = arith.index_cast %get3A_1426 : i32 to index
      %get3A_1428 = arith.index_cast %mul3A_12 : i32 to index
      %get3A_1429 = tpu.vector_load %arg4[%get3A_1427, %get3A_1428] {strides = array<i32>} : memref<64x256xf32, #tpu.memory_space<vmem>>, vector<1x16xf32>,
      %get3A_1430 = vector.shape_cast %get3A_1429 : vector<1x16xf32> to vector<16xf32>
      %max3A_1431 = arith.maximumf %max3A_1425, %get3A_1430 : vector<16xf32>
      %get3A_1432 = arith.constant 61 : i32
      %get3A_1433 = arith.index_cast %get3A_1432 : i32 to index
      %get3A_1434 = arith.index_cast %mul3A_12 : i32 to index
      %get3A_1435 = tpu.vector_load %arg4[%get3A_1433, %get3A_1434] {strides = array<i32>} : memref<64x256xf32, #tpu.memory_space<vmem>>, vector<1x16xf32>,
      %get3A_1436 = vector.shape_cast %get3A_1435 : vector<1x16xf32> to vector<16xf32>
      %max3A_1437 = arith.maximumf %max3A_1431, %get3A_1436 : vector<16xf32>
      %get3A_1438 = arith.constant 62 : i32
      %get3A_1439 = arith.index_cast %get3A_1438 : i32 to index
      %get3A_1440 = arith.index_cast %mul3A_12 : i32 to index
      %get3A_1441 = tpu.vector_load %arg4[%get3A_1439, %get3A_1440] {strides = array<i32>} : memref<64x256xf32, #tpu.memory_space<vmem>>, vector<1x16xf32>,
      %get3A_1442 = vector.shape_cast %get3A_1441 : vector<1x16xf32> to vector<16xf32>
      %max3A_1443 = arith.maximumf %max3A_1437, %get3A_1442 : vector<16xf32>
      %get3A_1444 = arith.constant 63 : i32
      %get3A_1445 = arith.index_cast %get3A_1444 : i32 to index
      %get3A_1446 = arith.index_cast %mul3A_12 : i32 to index
      %get3A_1447 = tpu.vector_load %arg4[%get3A_1445, %get3A_1446] {strides = array<i32>} : memref<64x256xf32, #tpu.memory_space<vmem>>, vector<1x16xf32>,
      %get3A_1448 = vector.shape_cast %get3A_1447 : vector<1x16xf32> to vector<16xf32>
      %max3A_1449 = arith.maximumf %max3A_1443, %get3A_1448 : vector<16xf32>
      %get3A_1450 = arith.constant 56 : i32
      %get3A_1451 = arith.index_cast %get3A_1450 : i32 to index
      %get3A_1452 = arith.index_cast %mul3A_12 : i32 to index
      %get3A_1453 = tpu.vector_load %arg4[%get3A_1451, %get3A_1452] {strides = array<i32>} : memref<64x256xf32, #tpu.memory_space<vmem>>, vector<1x16xf32>,
      %get3A_1454 = vector.shape_cast %get3A_1453 : vector<1x16xf32> to vector<16xf32>
      %eq3A_1455 = arith.cmpf oeq, %get3A_1454, %max3A_1449 : vector<16xf32>
      %select_n3A_1456 = arith.select %eq3A_1455, %broadcast_in_dim3A_13, %broadcast_in_dim3A_15 : vector<16xi1>, vector<16xf32>
      %lt3A_1457 = arith.constant 5.000000e-01 : f32
      %lt3A_1458 = vector.broadcast %lt3A_1457 : f32 to vector<16xf32>
      %lt3A_1459 = arith.cmpf olt, %broadcast_in_dim3A_15, %lt3A_1458 : vector<16xf32>
      %select_n3A_1460 = arith.select %lt3A_1459, %broadcast_in_dim3A_13, %broadcast_in_dim3A_15 : vector<16xi1>, vector<16xf32>
      %mul3A_1461 = arith.mulf %select_n3A_1456, %select_n3A_1460 : vector<16xf32>
      %swap3A_1462 = arith.constant 56 : i32
      %swap3A_1463 = arith.index_cast %swap3A_1462 : i32 to index
      %swap3A_1464 = arith.index_cast %mul3A_12 : i32 to index
      %swap3A_1465 = tpu.vector_load %arg5[%swap3A_1463, %swap3A_1464] {strides = array<i32>} : memref<64x256xf32, #tpu.memory_space<vmem>>, vector<1x16xf32>,
      %swap3A_1466 = vector.shape_cast %swap3A_1465 : vector<1x16xf32> to vector<16xf32>
      %swap3A_1467 = vector.shape_cast %mul3A_1461 : vector<16xf32> to vector<1x16xf32>
      tpu.vector_store %arg5[%swap3A_1463, %swap3A_1464], %swap3A_1467 {strides = array<i32>} : memref<64x256xf32, #tpu.memory_space<vmem>>, vector<1x16xf32>,
      %add3A_1468 = arith.addf %broadcast_in_dim3A_15, %mul3A_1461 : vector<16xf32>
      %get3A_1469 = arith.constant 57 : i32
      %get3A_1470 = arith.index_cast %get3A_1469 : i32 to index
      %get3A_1471 = arith.index_cast %mul3A_12 : i32 to index
      %get3A_1472 = tpu.vector_load %arg4[%get3A_1470, %get3A_1471] {strides = array<i32>} : memref<64x256xf32, #tpu.memory_space<vmem>>, vector<1x16xf32>,
      %get3A_1473 = vector.shape_cast %get3A_1472 : vector<1x16xf32> to vector<16xf32>
      %eq3A_1474 = arith.cmpf oeq, %get3A_1473, %max3A_1449 : vector<16xf32>
      %select_n3A_1475 = arith.select %eq3A_1474, %broadcast_in_dim3A_13, %broadcast_in_dim3A_15 : vector<16xi1>, vector<16xf32>
      %lt3A_1476 = arith.constant 5.000000e-01 : f32
      %lt3A_1477 = vector.broadcast %lt3A_1476 : f32 to vector<16xf32>
      %lt3A_1478 = arith.cmpf olt, %add3A_1468, %lt3A_1477 : vector<16xf32>
      %select_n3A_1479 = arith.select %lt3A_1478, %broadcast_in_dim3A_13, %broadcast_in_dim3A_15 : vector<16xi1>, vector<16xf32>
      %mul3A_1480 = arith.mulf %select_n3A_1475, %select_n3A_1479 : vector<16xf32>
      %swap3A_1481 = arith.constant 57 : i32
      %swap3A_1482 = arith.index_cast %swap3A_1481 : i32 to index
      %swap3A_1483 = arith.index_cast %mul3A_12 : i32 to index
      %swap3A_1484 = tpu.vector_load %arg5[%swap3A_1482, %swap3A_1483] {strides = array<i32>} : memref<64x256xf32, #tpu.memory_space<vmem>>, vector<1x16xf32>,
      %swap3A_1485 = vector.shape_cast %swap3A_1484 : vector<1x16xf32> to vector<16xf32>
      %swap3A_1486 = vector.shape_cast %mul3A_1480 : vector<16xf32> to vector<1x16xf32>
      tpu.vector_store %arg5[%swap3A_1482, %swap3A_1483], %swap3A_1486 {strides = array<i32>} : memref<64x256xf32, #tpu.memory_space<vmem>>, vector<1x16xf32>,
      %add3A_1487 = arith.addf %add3A_1468, %mul3A_1480 : vector<16xf32>
      %get3A_1488 = arith.constant 58 : i32
      %get3A_1489 = arith.index_cast %get3A_1488 : i32 to index
      %get3A_1490 = arith.index_cast %mul3A_12 : i32 to index
      %get3A_1491 = tpu.vector_load %arg4[%get3A_1489, %get3A_1490] {strides = array<i32>} : memref<64x256xf32, #tpu.memory_space<vmem>>, vector<1x16xf32>,
      %get3A_1492 = vector.shape_cast %get3A_1491 : vector<1x16xf32> to vector<16xf32>
      %eq3A_1493 = arith.cmpf oeq, %get3A_1492, %max3A_1449 : vector<16xf32>
      %select_n3A_1494 = arith.select %eq3A_1493, %broadcast_in_dim3A_13, %broadcast_in_dim3A_15 : vector<16xi1>, vector<16xf32>
      %lt3A_1495 = arith.constant 5.000000e-01 : f32
      %lt3A_1496 = vector.broadcast %lt3A_1495 : f32 to vector<16xf32>
      %lt3A_1497 = arith.cmpf olt, %add3A_1487, %lt3A_1496 : vector<16xf32>
      %select_n3A_1498 = arith.select %lt3A_1497, %broadcast_in_dim3A_13, %broadcast_in_dim3A_15 : vector<16xi1>, vector<16xf32>
      %mul3A_1499 = arith.mulf %select_n3A_1494, %select_n3A_1498 : vector<16xf32>
      %swap3A_1500 = arith.constant 58 : i32
      %swap3A_1501 = arith.index_cast %swap3A_1500 : i32 to index
      %swap3A_1502 = arith.index_cast %mul3A_12 : i32 to index
      %swap3A_1503 = tpu.vector_load %arg5[%swap3A_1501, %swap3A_1502] {strides = array<i32>} : memref<64x256xf32, #tpu.memory_space<vmem>>, vector<1x16xf32>,
      %swap3A_1504 = vector.shape_cast %swap3A_1503 : vector<1x16xf32> to vector<16xf32>
      %swap3A_1505 = vector.shape_cast %mul3A_1499 : vector<16xf32> to vector<1x16xf32>
      tpu.vector_store %arg5[%swap3A_1501, %swap3A_1502], %swap3A_1505 {strides = array<i32>} : memref<64x256xf32, #tpu.memory_space<vmem>>, vector<1x16xf32>,
      %add3A_1506 = arith.addf %add3A_1487, %mul3A_1499 : vector<16xf32>
      %get3A_1507 = arith.constant 59 : i32
      %get3A_1508 = arith.index_cast %get3A_1507 : i32 to index
      %get3A_1509 = arith.index_cast %mul3A_12 : i32 to index
      %get3A_1510 = tpu.vector_load %arg4[%get3A_1508, %get3A_1509] {strides = array<i32>} : memref<64x256xf32, #tpu.memory_space<vmem>>, vector<1x16xf32>,
      %get3A_1511 = vector.shape_cast %get3A_1510 : vector<1x16xf32> to vector<16xf32>
      %eq3A_1512 = arith.cmpf oeq, %get3A_1511, %max3A_1449 : vector<16xf32>
      %select_n3A_1513 = arith.select %eq3A_1512, %broadcast_in_dim3A_13, %broadcast_in_dim3A_15 : vector<16xi1>, vector<16xf32>
      %lt3A_1514 = arith.constant 5.000000e-01 : f32
      %lt3A_1515 = vector.broadcast %lt3A_1514 : f32 to vector<16xf32>
      %lt3A_1516 = arith.cmpf olt, %add3A_1506, %lt3A_1515 : vector<16xf32>
      %select_n3A_1517 = arith.select %lt3A_1516, %broadcast_in_dim3A_13, %broadcast_in_dim3A_15 : vector<16xi1>, vector<16xf32>
      %mul3A_1518 = arith.mulf %select_n3A_1513, %select_n3A_1517 : vector<16xf32>
      %swap3A_1519 = arith.constant 59 : i32
      %swap3A_1520 = arith.index_cast %swap3A_1519 : i32 to index
      %swap3A_1521 = arith.index_cast %mul3A_12 : i32 to index
      %swap3A_1522 = tpu.vector_load %arg5[%swap3A_1520, %swap3A_1521] {strides = array<i32>} : memref<64x256xf32, #tpu.memory_space<vmem>>, vector<1x16xf32>,
      %swap3A_1523 = vector.shape_cast %swap3A_1522 : vector<1x16xf32> to vector<16xf32>
      %swap3A_1524 = vector.shape_cast %mul3A_1518 : vector<16xf32> to vector<1x16xf32>
      tpu.vector_store %arg5[%swap3A_1520, %swap3A_1521], %swap3A_1524 {strides = array<i32>} : memref<64x256xf32, #tpu.memory_space<vmem>>, vector<1x16xf32>,
      %add3A_1525 = arith.addf %add3A_1506, %mul3A_1518 : vector<16xf32>
      %get3A_1526 = arith.constant 60 : i32
      %get3A_1527 = arith.index_cast %get3A_1526 : i32 to index
      %get3A_1528 = arith.index_cast %mul3A_12 : i32 to index
      %get3A_1529 = tpu.vector_load %arg4[%get3A_1527, %get3A_1528] {strides = array<i32>} : memref<64x256xf32, #tpu.memory_space<vmem>>, vector<1x16xf32>,
      %get3A_1530 = vector.shape_cast %get3A_1529 : vector<1x16xf32> to vector<16xf32>
      %eq3A_1531 = arith.cmpf oeq, %get3A_1530, %max3A_1449 : vector<16xf32>
      %select_n3A_1532 = arith.select %eq3A_1531, %broadcast_in_dim3A_13, %broadcast_in_dim3A_15 : vector<16xi1>, vector<16xf32>
      %lt3A_1533 = arith.constant 5.000000e-01 : f32
      %lt3A_1534 = vector.broadcast %lt3A_1533 : f32 to vector<16xf32>
      %lt3A_1535 = arith.cmpf olt, %add3A_1525, %lt3A_1534 : vector<16xf32>
      %select_n3A_1536 = arith.select %lt3A_1535, %broadcast_in_dim3A_13, %broadcast_in_dim3A_15 : vector<16xi1>, vector<16xf32>
      %mul3A_1537 = arith.mulf %select_n3A_1532, %select_n3A_1536 : vector<16xf32>
      %swap3A_1538 = arith.constant 60 : i32
      %swap3A_1539 = arith.index_cast %swap3A_1538 : i32 to index
      %swap3A_1540 = arith.index_cast %mul3A_12 : i32 to index
      %swap3A_1541 = tpu.vector_load %arg5[%swap3A_1539, %swap3A_1540] {strides = array<i32>} : memref<64x256xf32, #tpu.memory_space<vmem>>, vector<1x16xf32>,
      %swap3A_1542 = vector.shape_cast %swap3A_1541 : vector<1x16xf32> to vector<16xf32>
      %swap3A_1543 = vector.shape_cast %mul3A_1537 : vector<16xf32> to vector<1x16xf32>
      tpu.vector_store %arg5[%swap3A_1539, %swap3A_1540], %swap3A_1543 {strides = array<i32>} : memref<64x256xf32, #tpu.memory_space<vmem>>, vector<1x16xf32>,
      %add3A_1544 = arith.addf %add3A_1525, %mul3A_1537 : vector<16xf32>
      %get3A_1545 = arith.constant 61 : i32
      %get3A_1546 = arith.index_cast %get3A_1545 : i32 to index
      %get3A_1547 = arith.index_cast %mul3A_12 : i32 to index
      %get3A_1548 = tpu.vector_load %arg4[%get3A_1546, %get3A_1547] {strides = array<i32>} : memref<64x256xf32, #tpu.memory_space<vmem>>, vector<1x16xf32>,
      %get3A_1549 = vector.shape_cast %get3A_1548 : vector<1x16xf32> to vector<16xf32>
      %eq3A_1550 = arith.cmpf oeq, %get3A_1549, %max3A_1449 : vector<16xf32>
      %select_n3A_1551 = arith.select %eq3A_1550, %broadcast_in_dim3A_13, %broadcast_in_dim3A_15 : vector<16xi1>, vector<16xf32>
      %lt3A_1552 = arith.constant 5.000000e-01 : f32
      %lt3A_1553 = vector.broadcast %lt3A_1552 : f32 to vector<16xf32>
      %lt3A_1554 = arith.cmpf olt, %add3A_1544, %lt3A_1553 : vector<16xf32>
      %select_n3A_1555 = arith.select %lt3A_1554, %broadcast_in_dim3A_13, %broadcast_in_dim3A_15 : vector<16xi1>, vector<16xf32>
      %mul3A_1556 = arith.mulf %select_n3A_1551, %select_n3A_1555 : vector<16xf32>
      %swap3A_1557 = arith.constant 61 : i32
      %swap3A_1558 = arith.index_cast %swap3A_1557 : i32 to index
      %swap3A_1559 = arith.index_cast %mul3A_12 : i32 to index
      %swap3A_1560 = tpu.vector_load %arg5[%swap3A_1558, %swap3A_1559] {strides = array<i32>} : memref<64x256xf32, #tpu.memory_space<vmem>>, vector<1x16xf32>,
      %swap3A_1561 = vector.shape_cast %swap3A_1560 : vector<1x16xf32> to vector<16xf32>
      %swap3A_1562 = vector.shape_cast %mul3A_1556 : vector<16xf32> to vector<1x16xf32>
      tpu.vector_store %arg5[%swap3A_1558, %swap3A_1559], %swap3A_1562 {strides = array<i32>} : memref<64x256xf32, #tpu.memory_space<vmem>>, vector<1x16xf32>,
      %add3A_1563 = arith.addf %add3A_1544, %mul3A_1556 : vector<16xf32>
      %get3A_1564 = arith.constant 62 : i32
      %get3A_1565 = arith.index_cast %get3A_1564 : i32 to index
      %get3A_1566 = arith.index_cast %mul3A_12 : i32 to index
      %get3A_1567 = tpu.vector_load %arg4[%get3A_1565, %get3A_1566] {strides = array<i32>} : memref<64x256xf32, #tpu.memory_space<vmem>>, vector<1x16xf32>,
      %get3A_1568 = vector.shape_cast %get3A_1567 : vector<1x16xf32> to vector<16xf32>
      %eq3A_1569 = arith.cmpf oeq, %get3A_1568, %max3A_1449 : vector<16xf32>
      %select_n3A_1570 = arith.select %eq3A_1569, %broadcast_in_dim3A_13, %broadcast_in_dim3A_15 : vector<16xi1>, vector<16xf32>
      %lt3A_1571 = arith.constant 5.000000e-01 : f32
      %lt3A_1572 = vector.broadcast %lt3A_1571 : f32 to vector<16xf32>
      %lt3A_1573 = arith.cmpf olt, %add3A_1563, %lt3A_1572 : vector<16xf32>
      %select_n3A_1574 = arith.select %lt3A_1573, %broadcast_in_dim3A_13, %broadcast_in_dim3A_15 : vector<16xi1>, vector<16xf32>
      %mul3A_1575 = arith.mulf %select_n3A_1570, %select_n3A_1574 : vector<16xf32>
      %swap3A_1576 = arith.constant 62 : i32
      %swap3A_1577 = arith.index_cast %swap3A_1576 : i32 to index
      %swap3A_1578 = arith.index_cast %mul3A_12 : i32 to index
      %swap3A_1579 = tpu.vector_load %arg5[%swap3A_1577, %swap3A_1578] {strides = array<i32>} : memref<64x256xf32, #tpu.memory_space<vmem>>, vector<1x16xf32>,
      %swap3A_1580 = vector.shape_cast %swap3A_1579 : vector<1x16xf32> to vector<16xf32>
      %swap3A_1581 = vector.shape_cast %mul3A_1575 : vector<16xf32> to vector<1x16xf32>
      tpu.vector_store %arg5[%swap3A_1577, %swap3A_1578], %swap3A_1581 {strides = array<i32>} : memref<64x256xf32, #tpu.memory_space<vmem>>, vector<1x16xf32>,
      %add3A_1582 = arith.addf %add3A_1563, %mul3A_1575 : vector<16xf32>
      %get3A_1583 = arith.constant 63 : i32
      %get3A_1584 = arith.index_cast %get3A_1583 : i32 to index
      %get3A_1585 = arith.index_cast %mul3A_12 : i32 to index
      %get3A_1586 = tpu.vector_load %arg4[%get3A_1584, %get3A_1585] {strides = array<i32>} : memref<64x256xf32, #tpu.memory_space<vmem>>, vector<1x16xf32>,
      %get3A_1587 = vector.shape_cast %get3A_1586 : vector<1x16xf32> to vector<16xf32>
      %eq3A_1588 = arith.cmpf oeq, %get3A_1587, %max3A_1449 : vector<16xf32>
      %select_n3A_1589 = arith.select %eq3A_1588, %broadcast_in_dim3A_13, %broadcast_in_dim3A_15 : vector<16xi1>, vector<16xf32>
      %lt3A_1590 = arith.constant 5.000000e-01 : f32
      %lt3A_1591 = vector.broadcast %lt3A_1590 : f32 to vector<16xf32>
      %lt3A_1592 = arith.cmpf olt, %add3A_1582, %lt3A_1591 : vector<16xf32>
      %select_n3A_1593 = arith.select %lt3A_1592, %broadcast_in_dim3A_13, %broadcast_in_dim3A_15 : vector<16xi1>, vector<16xf32>
      %mul3A_1594 = arith.mulf %select_n3A_1589, %select_n3A_1593 : vector<16xf32>
      %swap3A_1595 = arith.constant 63 : i32
      %swap3A_1596 = arith.index_cast %swap3A_1595 : i32 to index
      %swap3A_1597 = arith.index_cast %mul3A_12 : i32 to index
      %swap3A_1598 = tpu.vector_load %arg5[%swap3A_1596, %swap3A_1597] {strides = array<i32>} : memref<64x256xf32, #tpu.memory_space<vmem>>, vector<1x16xf32>,
      %swap3A_1599 = vector.shape_cast %swap3A_1598 : vector<1x16xf32> to vector<16xf32>
      %swap3A_1600 = vector.shape_cast %mul3A_1594 : vector<16xf32> to vector<1x16xf32>
      tpu.vector_store %arg5[%swap3A_1596, %swap3A_1597], %swap3A_1600 {strides = array<i32>} : memref<64x256xf32, #tpu.memory_space<vmem>>, vector<1x16xf32>,
      %add3A_1601 = arith.addf %add3A_1582, %mul3A_1594 : vector<16xf32>
      %scan3A_1602 = arith.constant 0 : i32
      scf.yield %scan3A_1602 : i32
    }
    %scan3A_8 = arith.constant 16 : i32
    "tpu.region"() ({
      %run_scoped3A = tpu.sem_alloc : memref<!tpu.dma_semaphore, #tpu.memory_space<semaphore_mem>>
      %dma_start3A = arith.constant 0 : i32
      %dma_start3A_9 = tpu.memref_slice %arg3[%dma_start3A, %mul3A_2] : memref<64x8192xf32, #tpu.memory_space<hbm>> -> memref<64x256xf32, #tpu.memory_space<hbm>>
      %dma_start3A_10 = arith.constant 0 : i32
      %dma_start3A_11 = tpu.memref_slice %arg3[%dma_start3A_10, %mul3A_2] : memref<64x8192xf32, #tpu.memory_space<hbm>> -> memref<64x256xf32, #tpu.memory_space<hbm>>
      tpu.enqueue_dma source(%arg5 : memref<64x256xf32, #tpu.memory_space<vmem>>) target(%dma_start3A_11 : memref<64x256xf32, #tpu.memory_space<hbm>>) target_semaphore(%run_scoped3A : memref<!tpu.dma_semaphore, #tpu.memory_space<semaphore_mem>>)
      %dma_wait3A = arith.constant 0 : i32
      %dma_wait3A_12 = tpu.memref_slice %arg3[%dma_wait3A, %mul3A_2] : memref<64x8192xf32, #tpu.memory_space<hbm>> -> memref<64x256xf32, #tpu.memory_space<hbm>>
      %dma_wait3A_13 = arith.constant 0 : i32
      %dma_wait3A_14 = tpu.memref_slice %arg3[%dma_wait3A_13, %mul3A_2] : memref<64x8192xf32, #tpu.memory_space<hbm>> -> memref<64x256xf32, #tpu.memory_space<hbm>>
      tpu.wait_dma2 semaphore(%run_scoped3A : memref<!tpu.dma_semaphore, #tpu.memory_space<semaphore_mem>>) src(%arg5 : memref<64x256xf32, #tpu.memory_space<vmem>>) dst(%dma_wait3A_14 : memref<64x256xf32, #tpu.memory_space<hbm>>)
      tpu.yield
    }) : () -> ()
    return
  }
}

module attributes {stable_mosaic.version = 14 : i64} {
  func.func @_enc_body(%arg0: i32, %arg1: memref<1024x2048xf32, #tpu.memory_space<vmem>>, %arg2: memref<2048x64xf32, #tpu.memory_space<vmem>>, %arg3: memref<64x1xf32, #tpu.memory_space<vmem>>, %arg4: memref<64x1024xf32, #tpu.memory_space<vmem>>, %arg5: memref<64x64xf32, #tpu.memory_space<vmem>>, %arg6: memref<1024x64xf32, #tpu.memory_space<vmem>>, %arg7: memref<64x1024xf32, #tpu.memory_space<vmem>>) attributes {dimension_semantics = [#tpu.dimension_semantics<arbitrary>], iteration_bounds = array<i64: 8>, scalar_prefetch = 0 : i64, scratch_operands = 0 : i64, tpu.core_type = #tpu.core_type<tc>, window_params = [{transform_indices = @transform_0, window_bounds = array<i64: 1024, 2048>}, {pipeline_mode = #tpu.pipeline_mode<synchronous>, transform_indices = @transform_1, window_bounds = array<i64: 2048, 64>}, {pipeline_mode = #tpu.pipeline_mode<synchronous>, transform_indices = @transform_2, window_bounds = array<i64: 64, 1>}, {transform_indices = @transform_3, window_bounds = array<i64: 64, 1024>}, {pipeline_mode = #tpu.pipeline_mode<synchronous>, transform_indices = @transform_4, window_bounds = array<i64: 64, 64>}, {transform_indices = @transform_5, window_bounds = array<i64: 1024, 64>}, {transform_indices = @transform_6, window_bounds = array<i64: 64, 1024>}]} {
    %get3A = arith.constant 0 : index
    %get3A_0 = arith.constant 0 : index
    %get3A_1 = vector.load %arg2[%get3A, %get3A_0] : memref<2048x64xf32, #tpu.memory_space<vmem>>, vector<2048x64xf32>
    %get3A_2 = arith.constant 0 : index
    %get3A_3 = arith.constant 0 : index
    %get3A_4 = vector.load %arg1[%get3A_2, %get3A_3] : memref<1024x2048xf32, #tpu.memory_space<vmem>>, vector<1024x2048xf32>
    %dot_general3A = arith.constant dense<0.000000e+00> : vector<64x1024xf32>
    %dot_general3A_5 = tpu.matmul %get3A_1, %get3A_4, %dot_general3A {dimension_numbers = #tpu.dot_dimension_numbers<[0], [1], [1], [0], [0, 1, 1, 0], [], []>, transpose_lhs_hint = false} : vector<2048x64xf32>, vector<1024x2048xf32>, vector<64x1024xf32> -> vector<64x1024xf32>
    %get3A_6 = arith.constant 0 : index
    %get3A_7 = arith.constant 0 : index
    %get3A_8 = vector.load %arg3[%get3A_6, %get3A_7] : memref<64x1xf32, #tpu.memory_space<vmem>>, vector<64x1xf32>
    %add3A = vector.broadcast %get3A_8 : vector<64x1xf32> to vector<64x1024xf32>
    %add3A_9 = arith.addf %dot_general3A_5, %add3A : vector<64x1024xf32>
    %get3A_10 = arith.constant 0 : index
    %get3A_11 = arith.constant 0 : index
    %get3A_12 = vector.load %arg5[%get3A_10, %get3A_11] : memref<64x64xf32, #tpu.memory_space<vmem>>, vector<64x64xf32>
    %dot_general3A_13 = arith.constant dense<0.000000e+00> : vector<1024x64xf32>
    %dot_general3A_14 = tpu.matmul %add3A_9, %get3A_12, %dot_general3A_13 {dimension_numbers = #tpu.dot_dimension_numbers<[0], [0], [1], [1], [0, 1, 1, 1], [], []>, transpose_lhs_hint = false} : vector<64x1024xf32>, vector<64x64xf32>, vector<1024x64xf32> -> vector<1024x64xf32>
    %swap3A = arith.constant 0 : index
    %swap3A_15 = arith.constant 0 : index
    %swap3A_16 = vector.load %arg6[%swap3A, %swap3A_15] : memref<1024x64xf32, #tpu.memory_space<vmem>>, vector<1024x64xf32>
    tpu.vector_store %arg6[%swap3A, %swap3A_15], %dot_general3A_14 {strides = array<i32>} : memref<1024x64xf32, #tpu.memory_space<vmem>>, vector<1024x64xf32>,
    %get3A_17 = arith.constant 0 : index
    %get3A_18 = arith.constant 0 : index
    %get3A_19 = vector.load %arg4[%get3A_17, %get3A_18] : memref<64x1024xf32, #tpu.memory_space<vmem>>, vector<64x1024xf32>
    %add3A_20 = arith.addf %add3A_9, %get3A_19 : vector<64x1024xf32>
    %swap3A_21 = arith.constant 0 : index
    %swap3A_22 = arith.constant 0 : index
    %swap3A_23 = vector.load %arg7[%swap3A_21, %swap3A_22] : memref<64x1024xf32, #tpu.memory_space<vmem>>, vector<64x1024xf32>
    tpu.vector_store %arg7[%swap3A_21, %swap3A_22], %add3A_20 {strides = array<i32>} : memref<64x1024xf32, #tpu.memory_space<vmem>>, vector<64x1024xf32>,
    return
  }
  func.func @transform_0(%arg0: i32) -> (i32, i32) {
    %c0_i32 = arith.constant 0 : i32
    %c0_i32_0 = arith.constant 0 : i32
    return %arg0, %c0_i32 : i32, i32
  }
  func.func @transform_1(%arg0: i32) -> (i32, i32) {
    %c0_i32 = arith.constant 0 : i32
    %c0_i32_0 = arith.constant 0 : i32
    %c0_i32_1 = arith.constant 0 : i32
    return %c0_i32, %c0_i32_0 : i32, i32
  }
  func.func @transform_2(%arg0: i32) -> (i32, i32) {
    %c0_i32 = arith.constant 0 : i32
    %c0_i32_0 = arith.constant 0 : i32
    %c0_i32_1 = arith.constant 0 : i32
    return %c0_i32, %c0_i32_0 : i32, i32
  }
  func.func @transform_3(%arg0: i32) -> (i32, i32) {
    %c0_i32 = arith.constant 0 : i32
    %c0_i32_0 = arith.constant 0 : i32
    return %c0_i32, %arg0 : i32, i32
  }
  func.func @transform_4(%arg0: i32) -> (i32, i32) {
    %c0_i32 = arith.constant 0 : i32
    %c0_i32_0 = arith.constant 0 : i32
    %c0_i32_1 = arith.constant 0 : i32
    return %c0_i32, %c0_i32_0 : i32, i32
  }
  func.func @transform_5(%arg0: i32) -> (i32, i32) {
    %c0_i32 = arith.constant 0 : i32
    %c0_i32_0 = arith.constant 0 : i32
    return %arg0, %c0_i32 : i32, i32
  }
  func.func @transform_6(%arg0: i32) -> (i32, i32) {
    %c0_i32 = arith.constant 0 : i32
    %c0_i32_0 = arith.constant 0 : i32
    return %c0_i32, %arg0 : i32, i32
  }
}

module attributes {stable_mosaic.version = 14 : i64} {
  func.func @_dec_body(%arg0: i32, %arg1: memref<64x1024xf32, #tpu.memory_space<vmem>>, %arg2: memref<64x64xf32, #tpu.memory_space<vmem>>, %arg3: memref<64x2048xf32, #tpu.memory_space<vmem>>, %arg4: memref<1x2048xf32, #tpu.memory_space<vmem>>, %arg5: memref<1024x64xf32, #tpu.memory_space<vmem>>, %arg6: memref<1024x2048xf32, #tpu.memory_space<vmem>>) attributes {dimension_semantics = [#tpu.dimension_semantics<arbitrary>], iteration_bounds = array<i64: 8>, scalar_prefetch = 0 : i64, scratch_operands = 0 : i64, tpu.core_type = #tpu.core_type<tc>, window_params = [{transform_indices = @transform_0, window_bounds = array<i64: 64, 1024>}, {pipeline_mode = #tpu.pipeline_mode<synchronous>, transform_indices = @transform_1, window_bounds = array<i64: 64, 64>}, {pipeline_mode = #tpu.pipeline_mode<synchronous>, transform_indices = @transform_2, window_bounds = array<i64: 64, 2048>}, {pipeline_mode = #tpu.pipeline_mode<synchronous>, transform_indices = @transform_3, window_bounds = array<i64: 1, 2048>}, {transform_indices = @transform_4, window_bounds = array<i64: 1024, 64>}, {transform_indices = @transform_5, window_bounds = array<i64: 1024, 2048>}]} {
    %get3A = arith.constant 0 : index
    %get3A_0 = arith.constant 0 : index
    %get3A_1 = vector.load %arg1[%get3A, %get3A_0] : memref<64x1024xf32, #tpu.memory_space<vmem>>, vector<64x1024xf32>
    %get3A_2 = arith.constant 0 : index
    %get3A_3 = arith.constant 0 : index
    %get3A_4 = vector.load %arg2[%get3A_2, %get3A_3] : memref<64x64xf32, #tpu.memory_space<vmem>>, vector<64x64xf32>
    %dot_general3A = arith.constant dense<0.000000e+00> : vector<1024x64xf32>
    %dot_general3A_5 = tpu.matmul %get3A_1, %get3A_4, %dot_general3A {dimension_numbers = #tpu.dot_dimension_numbers<[0], [0], [1], [1], [0, 1, 1, 1], [], []>, transpose_lhs_hint = false} : vector<64x1024xf32>, vector<64x64xf32>, vector<1024x64xf32> -> vector<1024x64xf32>
    %swap3A = arith.constant 0 : index
    %swap3A_6 = arith.constant 0 : index
    %swap3A_7 = vector.load %arg5[%swap3A, %swap3A_6] : memref<1024x64xf32, #tpu.memory_space<vmem>>, vector<1024x64xf32>
    tpu.vector_store %arg5[%swap3A, %swap3A_6], %dot_general3A_5 {strides = array<i32>} : memref<1024x64xf32, #tpu.memory_space<vmem>>, vector<1024x64xf32>,
    %get3A_8 = arith.constant 0 : index
    %get3A_9 = arith.constant 0 : index
    %get3A_10 = vector.load %arg3[%get3A_8, %get3A_9] : memref<64x2048xf32, #tpu.memory_space<vmem>>, vector<64x2048xf32>
    %dot_general3A_11 = arith.constant dense<0.000000e+00> : vector<1024x2048xf32>
    %dot_general3A_12 = tpu.matmul %get3A_1, %get3A_10, %dot_general3A_11 {dimension_numbers = #tpu.dot_dimension_numbers<[0], [0], [1], [1], [0, 1, 1, 1], [], []>, transpose_lhs_hint = false} : vector<64x1024xf32>, vector<64x2048xf32>, vector<1024x2048xf32> -> vector<1024x2048xf32>
    %get3A_13 = arith.constant 0 : index
    %get3A_14 = arith.constant 0 : index
    %get3A_15 = vector.load %arg4[%get3A_13, %get3A_14] : memref<1x2048xf32, #tpu.memory_space<vmem>>, vector<1x2048xf32>
    %add3A = vector.broadcast %get3A_15 : vector<1x2048xf32> to vector<1024x2048xf32>
    %add3A_16 = arith.addf %dot_general3A_12, %add3A : vector<1024x2048xf32>
    %swap3A_17 = arith.constant 0 : index
    %swap3A_18 = arith.constant 0 : index
    %swap3A_19 = vector.load %arg6[%swap3A_17, %swap3A_18] : memref<1024x2048xf32, #tpu.memory_space<vmem>>, vector<1024x2048xf32>
    tpu.vector_store %arg6[%swap3A_17, %swap3A_18], %add3A_16 {strides = array<i32>} : memref<1024x2048xf32, #tpu.memory_space<vmem>>, vector<1024x2048xf32>,
    return
  }
  func.func @transform_0(%arg0: i32) -> (i32, i32) {
    %c0_i32 = arith.constant 0 : i32
    %c0_i32_0 = arith.constant 0 : i32
    return %c0_i32, %arg0 : i32, i32
  }
  func.func @transform_1(%arg0: i32) -> (i32, i32) {
    %c0_i32 = arith.constant 0 : i32
    %c0_i32_0 = arith.constant 0 : i32
    %c0_i32_1 = arith.constant 0 : i32
    return %c0_i32, %c0_i32_0 : i32, i32
  }
  func.func @transform_2(%arg0: i32) -> (i32, i32) {
    %c0_i32 = arith.constant 0 : i32
    %c0_i32_0 = arith.constant 0 : i32
    %c0_i32_1 = arith.constant 0 : i32
    return %c0_i32, %c0_i32_0 : i32, i32
  }
  func.func @transform_3(%arg0: i32) -> (i32, i32) {
    %c0_i32 = arith.constant 0 : i32
    %c0_i32_0 = arith.constant 0 : i32
    %c0_i32_1 = arith.constant 0 : i32
    return %c0_i32, %c0_i32_0 : i32, i32
  }
  func.func @transform_4(%arg0: i32) -> (i32, i32) {
    %c0_i32 = arith.constant 0 : i32
    %c0_i32_0 = arith.constant 0 : i32
    return %arg0, %c0_i32 : i32, i32
  }
  func.func @transform_5(%arg0: i32) -> (i32, i32) {
    %c0_i32 = arith.constant 0 : i32
    %c0_i32_0 = arith.constant 0 : i32
    return %arg0, %c0_i32 : i32, i32
  }
}

</mosaic_0001>

<sc_bundles>
// kernel: kernel.5.cloned.1.call-start
scs
__scs_entry_jumppad:
0x0: {  	(pc) =	sbr.rel $0x88, $3  }
0x1: {  	(tag) =	ssettag $0x0;
	lr =	simm.s32 $0x1  }
0x2: {  	[smem:$0x3F9C] =	sst lr;
	_ =	strace $0xD0000000  }
0x3: {  	_ = 	snop  }
0x4: {  	_ = 	snop  }
0x5: {  	_ = 	snop  }
0x6: {  	_ = 	snop  }
0x7: {  	_ = 	snop  }
__scs_overlays_trampoline_lowered:
0x8: {  	[smem:$0x3FAB] =	sst s0  }
0x9: {  	[smem:$0x3FAC] =	sst s1  }
0xa: {  	[smem:$0x3FAD] =	sst s2  }
0xb: {  	[smem:$0x3FAE] =	sst s3  }
0xc: {  	[smem:$0x3FAF] =	sst s4  }
0xd: {  	[smem:$0x3FB0] =	sst s5  }
0xe: {  	[smem:$0x3FB1] =	sst s6  }
0xf: {  	[smem:$0x3FB2] =	sst s7  }
0x10: {  	[smem:$0x3FB3] =	sst s8  }
0x11: {  	[smem:$0x3FB4] =	sst s9;
	s0 =	simm.s32 @!p0 $0x0  }
0x12: {  	s1 =	sld [smem:$0x3F9A];
	s0 =	simm.s32 @p0 $0x1  }
0x13: {  	[smem:$0x3FB5] =	sst s0;
	s0 =	simm.s32 @!p1 $0x0  }
0x14: {  	s2 =	sld [smem:$0x3F99];
	s0 =	simm.s32 @p1 $0x1  }
0x15: {  	[smem:$0x3FB6] =	sst s0;
	s0 =	simm.s32 @!p2 $0x0  }
0x16: {  	s3 =	sld [smem:$0x3FDB];
	s0 =	simm.s32 @p2 $0x1  }
0x17: {  	s4 =	simm.s32 $0x1BF5;
	[smem:$0x3FB8] =	sst s0  }
0x18: {  	s0 =	sld [smem:$0x3F9B];
	_ =	swait.ge [sflag:s4], $0x0  }
0x19: {  	s7 =	sld [smem:$0x3F9C]  }
0x1a: {  	s8 =	sadd.s32 $0xFFFFE003, lr  }
0x1b: {  	s9 =	sadd.s32 $0xFFFFFEF7, lr;
	s5 =	simm.s32 $0xFFFFFFFF;
	p2 =	slt.u32 s8, $0xFFFFF086  }
0x1c: {  	p1 =	slt.u32 s9, $0xF7A;
	s5 =	simm.s32 @!p2 $0x0  }
0x1d: {  	s5 =	simm.s32 @p1 $0x1;
	p0 =	seq.s32 s7, s2  }
0x1e: {  	s7 =	smul.u32 @!p0 $0xF7A, s2;
	p2 =	seq.s32 @!p0 s5, $0x0  }
0x1f: {  	s9 =	smul.u32 $0xF7A, s1;
	s8 =	simm.s32 @!p0 $0x1BF5;
	p2 =	por !p2, p0  }
0x20: {  	[sflag:s8] =	ssyncset.s32 @!p0 $0xFFFFF086;
	s6 =	sadd.s32 @!p0 s3, s7;
	s7 =	simm.s32 @!p0 $0x108  }
0x21: {  	s3 =	sadd.s32 s3, s9;
	s6 =	sadd.s32 @!p0 $0x88, s6;
	s7 =	simm.s32 @p2 $0x1082  }
0x22: {  	[simem:s7], [sflag:s8] =	dma.local @!p0 [hbm:s6], $0xF7A  }
0x23: {  	s9 =	sor.u32 $0xD0000000, s2;
	s6 =	simm.s32 $0x108;
	_ =	swait.ge @!p0 [sflag:s8], $0x0  }
0x24: {  	s3 =	sadd.s32 $0x88, s3;
	s6 =	simm.s32 @!p1 $0x1082;
	[sflag:s4] =	ssyncset.s32 $0xFFFFF086  }
0x25: {  	[simem:s6], [sflag:s4] =	dma.local [hbm:s3], $0xF7A  }
0x26: {  	[smem:$0x3F9C] =	sst s1;
	(tag) =	ssettag s2;
	_ =	strace s9  }
0x27: {  	s1 =	sld [smem:$0x3FAC]  }
0x28: {  	s2 =	sld [smem:$0x3FAD]  }
0x29: {  	s4 =	sld [smem:$0x3FAF]  }
0x2a: {  	p0 =	seq.s32 s5, $0x0;
	s5 =	sld [smem:$0x3FB0]  }
0x2b: {  	s6 =	sld [smem:$0x3FB1]  }
0x2c: {  	s7 =	sld [smem:$0x3FB2]  }
0x2d: {  	s3 =	simm.s32 $0x108;
	s8 =	sld [smem:$0x3FB3]  }
0x2e: {  	s3 =	simm.s32 @!p0 $0x1082;
	s9 =	sld [smem:$0x3FB4]  }
0x2f: {  	lr =	sadd.s32 s0, s3;
	s0 =	sld [smem:$0x3FAB]  }
0x30: {  	s3 =	sld [smem:$0x3FAE]  }
0x31: {  	[smem:$0x3FB7] =	sst s10  }
0x32: {  	s10 =	sld [smem:$0x3FB5];
	_ =	sdelay $0x3  }
0x33: {  	p0 =	seq.s32 s10, $0x1;
	s10 =	sld [smem:$0x3FB7];
	_ =	sdelay $0x3  }
0x34: {  	[smem:$0x3FB7] =	sst s10  }
0x35: {  	s10 =	sld [smem:$0x3FB6];
	_ =	sdelay $0x3  }
0x36: {  	p1 =	seq.s32 s10, $0x1;
	s10 =	sld [smem:$0x3FB7];
	_ =	sdelay $0x3  }
0x37: {  	[smem:$0x3FB7] =	sst s10  }
0x38: {  	s10 =	sld [smem:$0x3FB8]  }
0x39: {  	_ = 	snop;
	(pc) =	sbr.ind lr, $3  }
0x3a: {  	_ = 	snop  }
0x3b: {  	_ = 	snop  }
0x3c: {  	p2 =	seq.s32 s10, $0x1;
	s10 =	sld [smem:$0x3FB7]  }
0x3d: {  	_ =	shalt  }
0x3e: {  	_ =	shalt  }
0x3f: {  	_ =	shalt  }
0x40: {  	_ =	shalt  }
0x41: {  	_ =	shalt  }
0x42: {  	_ =	shalt  }
0x43: {  	_ =	shalt  }
0x44: {  	_ =	shalt  }
0x45: {  	_ =	shalt  }
0x46: {  	_ =	shalt  }
0x47: {  	_ =	shalt  }
0x48: {  	_ =	shalt  }
0x49: {  	_ =	shalt  }
0x4a: {  	_ =	shalt  }
0x4b: {  	_ =	shalt  }
0x4c: {  	_ =	shalt  }
0x4d: {  	_ =	shalt  }
0x4e: {  	_ =	shalt  }
0x4f: {  	_ =	shalt  }
0x50: {  	_ =	shalt  }
0x51: {  	_ =	shalt  }
0x52: {  	_ =	shalt  }
0x53: {  	_ =	shalt  }
0x54: {  	_ =	shalt  }
0x55: {  	_ =	shalt  }
0x56: {  	_ =	shalt  }
0x57: {  	_ =	shalt  }
0x58: {  	_ =	shalt  }
0x59: {  	_ =	shalt  }
0x5a: {  	_ =	shalt  }
0x5b: {  	_ =	shalt  }
0x5c: {  	_ =	shalt  }
0x5d: {  	_ =	shalt  }
0x5e: {  	_ =	shalt  }
0x5f: {  	_ =	shalt  }
0x60: {  	_ =	shalt  }
0x61: {  	_ =	shalt  }
0x62: {  	_ =	shalt  }
0x63: {  	_ =	shalt  }
0x64: {  	_ =	shalt  }
0x65: {  	_ =	shalt  }
0x66: {  	_ =	shalt  }
0x67: {  	_ =	shalt  }
0x68: {  	_ =	shalt  }
0x69: {  	_ =	shalt  }
0x6a: {  	_ =	shalt  }
0x6b: {  	_ =	shalt  }
0x6c: {  	_ =	shalt  }
0x6d: {  	_ =	shalt  }
0x6e: {  	_ =	shalt  }
0x6f: {  	_ =	shalt  }
0x70: {  	_ =	shalt  }
0x71: {  	_ =	shalt  }
0x72: {  	_ =	shalt  }
0x73: {  	_ =	shalt  }
0x74: {  	_ =	shalt  }
0x75: {  	_ =	shalt  }
0x76: {  	_ =	shalt  }
0x77: {  	_ =	shalt  }
0x78: {  	_ =	shalt  }
0x79: {  	_ =	shalt  }
0x7a: {  	_ =	shalt  }
0x7b: {  	_ =	shalt  }
0x7c: {  	_ =	shalt  }
0x7d: {  	_ =	shalt  }
0x7e: {  	_ =	shalt  }
0x7f: {  	_ =	shalt  }
0x80: {  	_ =	shalt  }
0x81: {  	_ =	shalt  }
0x82: {  	_ =	shalt  }
0x83: {  	_ =	shalt  }
0x84: {  	_ =	shalt  }
0x85: {  	_ =	shalt  }
0x86: {  	_ =	shalt  }
0x87: {  	_ =	shalt  }
.Lfunc_end0:
.L_simem_size_0:
called_computation_lowered:
.L_overlay_start_0:
0x88: {  	s2 =	sld [smem:$0x3FD9]  }
0x89: {  	s3 =	sld [smem:$0x3FFE];
	_ =	sdelay $0x1  }
0x8a: {  	s1 =	srdreg.scid  }
0x8b: {  	s0 =	sand.u32 $0x1, s1  }
0x8c: {  	s15 =	sshll.u32 s0, $0xA;
	s2 =	sadd.s32 s3, s2  }
0x8d: {  	s2 =	sadd.s32 s2, s15  }
0x8e: {  	[smem:$0x3FC3] =	sst s2  }
0x8f: {  	_ = 	snop  }
0x90: {  	s2 =	sld [smem:$0x3FD0];
	_ =	sdelay $0x2  }
0x91: {  	s16 =	simm.s32 $0xA;
	s4 =	simm.s32 $0x10  }
0x92: {  	[smem:s4], [sflag:s16] =	dma.local [hbm:s2], $0x1  }
0x93: {  	_ =	swait.eq [sflag:s16], $0x1  }
0x94: {  	[sflag:s16] =	ssyncset.done $0x0  }
0x95: {  	s17 =	sld [smem:$0x11];
	[sflag:s16] =	ssyncadd.s32 $0xFFFFFFFF  }
0x96: {  	s18 =	sld [smem:$0x12];
	(tm) =	ssettm $0x1  }
0x97: {  	s19 =	sld [smem:$0x3FFB];
	_ =	sdelay $0x3  }
0x98: {  	_ =	strace s19  }
0x99: {  	s4 =	sld [smem:$0x3FFC];
	_ =	sdelay $0x3  }
0x9a: {  	_ =	strace s4  }
0x9b: {  	s4 =	sld [smem:$0x3FFD];
	_ =	sdelay $0x3  }
0x9c: {  	_ =	strace s4  }
0x9d: {  	_ =	strace $0x8FFFFFFF  }
0x9e: {  	s20 =	sld [smem:$0x3FDB];
	_ =	sdelay $0x1  }
0x9f: {  	s5 =	simm.s32 $_scs_section_size  }
0xa0: {  	s6 =	simm.s32 $_size__tile_overlayer_lowered;
	s7 =	simm.s32 $_tile_overlayer_lowered  }
0xa1: {  	s23 =	simm.s32 $0x1BFF;
	s22 =	sshll.u32 s7, $0x1;
	s4 =	sadd.s32 s5, s20  }
0xa2: {  	s8 =	simm.s32 $0x0;
	s21 =	sshll.u32 s6, $0x1;
	s6 =	sadd.s32 s22, s4  }
0xa3: {  	[timem:s8], [sflag:s23] =	dma.local [hbm:s6], s21  }
0xa4: {  	_ =	swait.ge [sflag:s23], s21  }
0xa5: {  	s5 =	ssub.s32 $0x0, s21;
	[sflag:s23] =	ssyncset.done $0x0  }
0xa6: {  	[sflag:s23] =	ssyncadd.s32 s5;
	_ =	sdelay $0x1  }
0xa7: {  	s24 =	simm.s32 $0x1B8B  }
0xa8: {  	_ =	swait.ge [sflag:s24], $0x1  }
0xa9: {  	[sflag:s24] =	ssyncset.done $0x0  }
0xaa: {  	s25 =	simm.s32 $0x1B8E;
	[sflag:s24] =	ssyncadd.s32 $0xFFFFFFFF  }
0xab: {  	s26 =	simm.s32 $execute0_lowered;
	[smem:$0x3FD2] =	sst s25  }
0xac: {  	s5 =	sshll.u32 s26, $0x1;
	_ =	strace $0x80000046;
	[dreg:$0x1] =	wrdreg $0xFFFFFFFF  }
0xad: {  	s28 =	simm.s32 $_size_execute0_lowered;
	s4 =	sadd.s32 s4, s5;
	[dreg:$0x0] =	wrdreg $0x0  }
0xae: {  	s5 =	sshll.u32 s28, $0x1;
	[dreg:$0x2] =	wrdreg s4  }
0xaf: {  	[dreg:$0x3] =	wrdreg s5  }
0xb0: {  	[dreg:$0x4] =	wrdreg $0xC0  }
0xb1: {  	_ =	task [dreg:s8], $0x5FFFF  }
0xb2: {  	[dreg:$0x1] =	wrdreg $0xFFFFFFFF  }
0xb3: {  	[dreg:$0x0] =	wrdreg $0x60  }
0xb4: {  	[dreg:$0x2] =	wrdreg s17  }
0xb5: {  	[dreg:$0x3] =	wrdreg s18  }
0xb6: {  	[dreg:$0x4] =	wrdreg $0x9  }
0xb7: {  	_ =	task.clear_ibuf [dreg:s8], $0x5FFFF;
	_ =	strace $0x90000046  }
0xb8: {  	s29 =	simm.s32 $0x9;
	_ =	strace $0x80000048  }
0xb9: {  	_ =	swait.ge [sflag:s29], $0x1  }
0xba: {  	[sflag:s29] =	ssyncadd.s32 $0xFFFFFFFF  }
0xbb: {  	_ =	strace $0x90000048  }
0xbc: {  	_ =	sfence  }
0xbd: {  	s30 =	sld [smem:$0x0];
	_ =	sdelay $0x2  }
0xbe: {  	s31 =	sshll.u32 s1, $0xD;
	s1 =	sshrl.u32 s1, $0x2  }
0xbf: {  	s3 =	sand.u32 $0x4000, s31;
	s1 =	sadd.s32 s1, s30  }
0xc0: {  	s0 =	sor.u32 s3, s0;
	s1 =	sshll.u32 s1, $0x11  }
0xc1: {  	s0 =	sor.u32 s1, s0  }
0xc2: {  	s0 =	sadd.s32 $0x8F2B, s0  }
0xc3: {  	[sflag:s0] =	ssyncadd.remote.s32 $0x1  }
0xc4: {  	_ =	sfence.sel $0xFFFF  }
0xc5: {  	[dreg:$0x0] =	wrdreg $0xFFFFFFFF;
	(pc) =	sbr.abs _section_cstart, $3  }
0xc6: {  	[dreg:$0x1] =	wrdreg $0xFFFFFFFF  }
0xc7: {  	_ =	task.clear_ibuf [dreg:s8], $0x2FFFF;
	_ =	strace $0x9FFFFFFF  }
0xc8: {  	(tm) =	ssettm $0x7FFFFFFF  }
0xc9: {  	_ =	shalt  }
tec
execute0_lowered:
.L_overlay_start_1:
0x0: {  	(tag) =	ssettag $0x1  }
0x1: {  	s3 =	rddreg [dreg:$0x0]  }
0x2: {  	s4 =	rddreg [dreg:$0x1]  }
0x3: {  	s0 =	rddreg [dreg:$0x2];
	s2 =	simm.s32 $0x0;
	s5 =	srdreg.scid  }
0x4: {  	s1 =	stileid.u32;
	s9 =	simm.s32 $0x4000;
	s10 =	simm.s32 $0x0  }
0x5: {  	[smem:$0x7FF] =	sst s2;
	s5 =	sand.u32 $0x1, s5;
	s7 =	sshll.u32 s1, $0x9  }
0x6: {  	s6 =	ssub.s32 $0x2, s5;
	s5 =	sshll.u32 s5, $0x8;
	_ =	strace $0x80000047  }
0x7: {  	s8 =	sshrl.u32 s6, $0x1;
	s5 =	sor.u32 s5, s7;
	s7 =	simm.s32 $0x10000  }
0x8: {  	s6 =	ssub.s32 s6, s8;
	s3 =	sadd.s32 s3, s5;
	s4 =	sadd.s32 s4, s5  }
0x9: {  	v0 =	vimm.f32 $0.0e+00;
	s8 =	simm.s32 $0x1;
	s5 =	smax.u32 s6, $0x1;
	s6 =	simm.s32 $0x800  }
.LBB2_1:
0xa: {  	[tilespmem:s2], [sflag:$0x1] =	stream.strided.gather [hbm4b:s3+s6], $0x4000, s7, s6, $0x38;
	[tilespmem:$0x8000] =	vst v63  }
0xb: {  	_ =	swait.ge [sflag:s8], $0x4000  }
0xc: {  	[sflag:s8] =	ssyncset.done $0x0  }
0xd: {  	s11 =	simm.s32 $0x0;
	s12 =	simm.s32 $0x0;
	[sflag:s8] =	ssyncadd.s32 $0xFFFFC000  }
.LBB2_2:
0xe: {  	s14 =	sand.u32 $0xFFFFFC00, s11;
	s13 =	sand.u32 $0x70, s12;
	s15 =	sand.u32 $0x400, s11  }
0xf: {  	s13 =	sor.u32 s13, s15;
	s14 =	sadd.s32 s14, s12  }
0x10: {  	v1 =	vld [tilespmem:s13+$0x0];
	s16 =	sor.u32 $0x80, s14  }
0x11: {  	v2 =	vld [tilespmem:s16+$0x0]  }
0x12: {  	v3 =	vld [tilespmem:s13+$0x100];
	s17 =	sor.u32 $0x180, s14  }
0x13: {  	v4 =	vld [tilespmem:s17+$0x0]  }
0x14: {  	v5 =	vld [tilespmem:s13+$0x200];
	s18 =	sor.u32 $0x280, s14  }
0x15: {  	s15 =	sor.u32 s12, s11;
	v6 =	vld [tilespmem:s18+$0x0]  }
0x16: {  	v7 =	vld [tilespmem:s13+$0x300];
	s19 =	sor.u32 $0x380, s15;
	v2 =	vmax.f32 v1, v2  }
0x17: {  	v2 =	vmax.f32 v2, v3;
	v3 =	vld [tilespmem:s19+$0x0]  }
0x18: {  	v2 =	vmax.f32 v2, v4  }
0x19: {  	v2 =	vmax.f32 v2, v5  }
0x1a: {  	v2 =	vmax.f32 v2, v6  }
0x1b: {  	v2 =	vmax.f32 v2, v7  }
0x1c: {  	v2 =	vmax.f32 v2, v3  }
0x1d: {  	vm0 =	veq.f32 v1, v2  }
0x1e: {  	v1 =	vsel vm0, $0x3F800000, v0  }
0x1f: {  	[tilespmem:s13+$0x4000] =	vst v1  }
0x20: {  	v3 =	vld [tilespmem:s16+$0x0];
	_ =	sdelay $0x4  }
0x21: {  	vm1 =	vlt.f32 v1, $5.000000000e-01;
	vm6 =	veq.f32 v3, v2  }
0x22: {  	vm0 =	vmand vm6, vm1  }
0x23: {  	v3 =	vsel vm0, $0x3F800000, v0  }
0x24: {  	[tilespmem:s16+$0x4000] =	vst v3  }
0x25: {  	v44 =	vld [tilespmem:s13+$0x100];
	_ =	sdelay $0x2  }
0x26: {  	v1 =	vadd.f32 v3, v1;
	_ =	sdelay $0x1  }
0x27: {  	vm8 =	vlt.f32 v1, $5.000000000e-01;
	vm7 =	veq.f32 v44, v2  }
0x28: {  	vm0 =	vmand vm7, vm8  }
0x29: {  	v3 =	vsel vm0, $0x3F800000, v0  }
0x2a: {  	[tilespmem:s13+$0x4100] =	vst v3  }
0x2b: {  	v45 =	vld [tilespmem:s17+$0x0];
	_ =	sdelay $0x2  }
0x2c: {  	v1 =	vadd.f32 v3, v1;
	_ =	sdelay $0x1  }
0x2d: {  	vm10 =	vlt.f32 v1, $5.000000000e-01;
	vm9 =	veq.f32 v45, v2  }
0x2e: {  	vm0 =	vmand vm9, vm10  }
0x2f: {  	v3 =	vsel vm0, $0x3F800000, v0  }
0x30: {  	[tilespmem:s17+$0x4000] =	vst v3  }
0x31: {  	v46 =	vld [tilespmem:s13+$0x200];
	_ =	sdelay $0x2  }
0x32: {  	v1 =	vadd.f32 v3, v1;
	_ =	sdelay $0x1  }
0x33: {  	vm12 =	vlt.f32 v1, $5.000000000e-01;
	vm11 =	veq.f32 v46, v2  }
0x34: {  	vm0 =	vmand vm11, vm12  }
0x35: {  	v3 =	vsel vm0, $0x3F800000, v0  }
0x36: {  	[tilespmem:s13+$0x4200] =	vst v3  }
0x37: {  	v47 =	vld [tilespmem:s18+$0x0];
	_ =	sdelay $0x2  }
0x38: {  	v1 =	vadd.f32 v3, v1;
	_ =	sdelay $0x1  }
0x39: {  	vm14 =	vlt.f32 v1, $5.000000000e-01;
	vm13 =	veq.f32 v47, v2  }
0x3a: {  	vm0 =	vmand vm13, vm14  }
0x3b: {  	v3 =	vsel vm0, $0x3F800000, v0  }
0x3c: {  	[tilespmem:s18+$0x4000] =	vst v3  }
0x3d: {  	v48 =	vld [tilespmem:s13+$0x300];
	_ =	sdelay $0x2  }
0x3e: {  	v1 =	vadd.f32 v3, v1;
	_ =	sdelay $0x1  }
0x3f: {  	vm4 =	vlt.f32 v1, $5.000000000e-01;
	vm15 =	veq.f32 v48, v2  }
0x40: {  	vm0 =	vmand vm15, vm4  }
0x41: {  	v3 =	vsel vm0, $0x3F800000, v0  }
0x42: {  	[tilespmem:s13+$0x4300] =	vst v3  }
0x43: {  	v49 =	vld [tilespmem:s19+$0x0];
	_ =	sdelay $0x2  }
0x44: {  	v1 =	vadd.f32 v3, v1;
	_ =	sdelay $0x1  }
0x45: {  	vm6 =	vlt.f32 v1, $5.000000000e-01;
	vm5 =	veq.f32 v49, v2  }
0x46: {  	vm0 =	vmand vm5, vm6  }
0x47: {  	v1 =	vsel vm0, $0x3F800000, v0  }
0x48: {  	[tilespmem:s19+$0x4000] =	vst v1  }
0x49: {  	s19 =	sor.u32 $0x880, s14;
	v1 =	vld [tilespmem:s13+$0x800]  }
0x4a: {  	v2 =	vld [tilespmem:s19+$0x0]  }
0x4b: {  	s20 =	sor.u32 $0x980, s14;
	v3 =	vld [tilespmem:s13+$0x900]  }
0x4c: {  	v50 =	vld [tilespmem:s20+$0x0]  }
0x4d: {  	s21 =	sor.u32 $0xA80, s14;
	v51 =	vld [tilespmem:s13+$0xA00]  }
0x4e: {  	v52 =	vld [tilespmem:s21+$0x0]  }
0x4f: {  	s22 =	sor.u32 $0xB80, s15;
	v53 =	vld [tilespmem:s13+$0xB00];
	v2 =	vmax.f32 v1, v2  }
0x50: {  	v2 =	vmax.f32 v2, v3;
	v3 =	vld [tilespmem:s22+$0x0]  }
0x51: {  	v2 =	vmax.f32 v2, v50  }
0x52: {  	v2 =	vmax.f32 v2, v51  }
0x53: {  	v2 =	vmax.f32 v2, v52  }
0x54: {  	v2 =	vmax.f32 v2, v53  }
0x55: {  	v2 =	vmax.f32 v2, v3  }
0x56: {  	vm7 =	veq.f32 v1, v2  }
0x57: {  	v1 =	vsel vm7, $0x3F800000, v0  }
0x58: {  	[tilespmem:s13+$0x4800] =	vst v1  }
0x59: {  	v3 =	vld [tilespmem:s19+$0x0];
	_ =	sdelay $0x4  }
0x5a: {  	vm9 =	vlt.f32 v1, $5.000000000e-01;
	vm8 =	veq.f32 v3, v2  }
0x5b: {  	vm0 =	vmand vm8, vm9  }
0x5c: {  	v3 =	vsel vm0, $0x3F800000, v0  }
0x5d: {  	[tilespmem:s19+$0x4000] =	vst v3  }
0x5e: {  	v54 =	vld [tilespmem:s13+$0x900];
	_ =	sdelay $0x2  }
0x5f: {  	v1 =	vadd.f32 v3, v1;
	_ =	sdelay $0x1  }
0x60: {  	vm11 =	vlt.f32 v1, $5.000000000e-01;
	vm10 =	veq.f32 v54, v2  }
0x61: {  	vm0 =	vmand vm10, vm11  }
0x62: {  	v3 =	vsel vm0, $0x3F800000, v0  }
0x63: {  	[tilespmem:s13+$0x4900] =	vst v3  }
0x64: {  	v55 =	vld [tilespmem:s20+$0x0];
	_ =	sdelay $0x2  }
0x65: {  	v1 =	vadd.f32 v3, v1;
	_ =	sdelay $0x1  }
0x66: {  	vm13 =	vlt.f32 v1, $5.000000000e-01;
	vm12 =	veq.f32 v55, v2  }
0x67: {  	vm0 =	vmand vm12, vm13  }
0x68: {  	v3 =	vsel vm0, $0x3F800000, v0  }
0x69: {  	[tilespmem:s20+$0x4000] =	vst v3  }
0x6a: {  	v56 =	vld [tilespmem:s13+$0xA00];
	_ =	sdelay $0x2  }
0x6b: {  	v1 =	vadd.f32 v3, v1;
	_ =	sdelay $0x1  }
0x6c: {  	vm15 =	vlt.f32 v1, $5.000000000e-01;
	vm14 =	veq.f32 v56, v2  }
0x6d: {  	vm0 =	vmand vm14, vm15  }
0x6e: {  	v3 =	vsel vm0, $0x3F800000, v0  }
0x6f: {  	[tilespmem:s13+$0x4A00] =	vst v3  }
0x70: {  	v57 =	vld [tilespmem:s21+$0x0];
	_ =	sdelay $0x2  }
0x71: {  	v1 =	vadd.f32 v3, v1;
	_ =	sdelay $0x1  }
0x72: {  	vm5 =	vlt.f32 v1, $5.000000000e-01;
	vm4 =	veq.f32 v57, v2  }
0x73: {  	vm0 =	vmand vm4, vm5  }
0x74: {  	v3 =	vsel vm0, $0x3F800000, v0  }
0x75: {  	[tilespmem:s21+$0x4000] =	vst v3  }
0x76: {  	v58 =	vld [tilespmem:s13+$0xB00];
	_ =	sdelay $0x2  }
0x77: {  	v1 =	vadd.f32 v3, v1;
	_ =	sdelay $0x1  }
0x78: {  	vm7 =	vlt.f32 v1, $5.000000000e-01;
	vm6 =	veq.f32 v58, v2  }
0x79: {  	vm0 =	vmand vm6, vm7  }
0x7a: {  	v3 =	vsel vm0, $0x3F800000, v0  }
0x7b: {  	[tilespmem:s13+$0x4B00] =	vst v3  }
0x7c: {  	v59 =	vld [tilespmem:s22+$0x0];
	_ =	sdelay $0x2  }
0x7d: {  	v1 =	vadd.f32 v3, v1;
	_ =	sdelay $0x1  }
0x7e: {  	vm9 =	vlt.f32 v1, $5.000000000e-01;
	vm8 =	veq.f32 v59, v2  }
0x7f: {  	vm0 =	vmand vm8, vm9  }
0x80: {  	v1 =	vsel vm0, $0x3F800000, v0  }
0x81: {  	[tilespmem:s22+$0x4000] =	vst v1  }
0x82: {  	s23 =	sor.u32 $0x1080, s14;
	v1 =	vld [tilespmem:s13+$0x1000]  }
0x83: {  	v2 =	vld [tilespmem:s23+$0x0]  }
0x84: {  	s24 =	sor.u32 $0x1180, s14;
	v3 =	vld [tilespmem:s13+$0x1100]  }
0x85: {  	v60 =	vld [tilespmem:s24+$0x0]  }
0x86: {  	s25 =	sor.u32 $0x1280, s14;
	v61 =	vld [tilespmem:s13+$0x1200]  }
0x87: {  	v62 =	vld [tilespmem:s25+$0x0]  }
0x88: {  	s26 =	sor.u32 $0x1380, s15;
	v63 =	vld [tilespmem:s13+$0x1300];
	v2 =	vmax.f32 v1, v2  }
0x89: {  	v2 =	vmax.f32 v2, v3;
	v3 =	vld [tilespmem:s26+$0x0]  }
0x8a: {  	v2 =	vmax.f32 v2, v60  }
0x8b: {  	v2 =	vmax.f32 v2, v61  }
0x8c: {  	v2 =	vmax.f32 v2, v62  }
0x8d: {  	v2 =	vmax.f32 v2, v63  }
0x8e: {  	v2 =	vmax.f32 v2, v3  }
0x8f: {  	vm10 =	veq.f32 v1, v2  }
0x90: {  	v1 =	vsel vm10, $0x3F800000, v0  }
0x91: {  	[tilespmem:s13+$0x5000] =	vst v1  }
0x92: {  	v3 =	vld [tilespmem:s23+$0x0];
	_ =	sdelay $0x4  }
0x93: {  	vm12 =	vlt.f32 v1, $5.000000000e-01;
	vm11 =	veq.f32 v3, v2  }
0x94: {  	vm0 =	vmand vm11, vm12  }
0x95: {  	v3 =	vsel vm0, $0x3F800000, v0  }
0x96: {  	[tilespmem:s23+$0x4000] =	vst v3  }
0x97: {  	v8 =	vld [tilespmem:s13+$0x1100];
	_ =	sdelay $0x2  }
0x98: {  	v1 =	vadd.f32 v3, v1;
	_ =	sdelay $0x1  }
0x99: {  	vm14 =	vlt.f32 v1, $5.000000000e-01;
	vm13 =	veq.f32 v8, v2  }
0x9a: {  	vm0 =	vmand vm13, vm14  }
0x9b: {  	v3 =	vsel vm0, $0x3F800000, v0  }
0x9c: {  	[tilespmem:s13+$0x5100] =	vst v3  }
0x9d: {  	v9 =	vld [tilespmem:s24+$0x0];
	_ =	sdelay $0x2  }
0x9e: {  	v1 =	vadd.f32 v3, v1;
	_ =	sdelay $0x1  }
0x9f: {  	vm4 =	vlt.f32 v1, $5.000000000e-01;
	vm15 =	veq.f32 v9, v2  }
0xa0: {  	vm0 =	vmand vm15, vm4  }
0xa1: {  	v3 =	vsel vm0, $0x3F800000, v0  }
0xa2: {  	[tilespmem:s24+$0x4000] =	vst v3  }
0xa3: {  	v10 =	vld [tilespmem:s13+$0x1200];
	_ =	sdelay $0x2  }
0xa4: {  	v1 =	vadd.f32 v3, v1;
	_ =	sdelay $0x1  }
0xa5: {  	vm6 =	vlt.f32 v1, $5.000000000e-01;
	vm5 =	veq.f32 v10, v2  }
0xa6: {  	vm0 =	vmand vm5, vm6  }
0xa7: {  	v3 =	vsel vm0, $0x3F800000, v0  }
0xa8: {  	[tilespmem:s13+$0x5200] =	vst v3  }
0xa9: {  	v11 =	vld [tilespmem:s25+$0x0];
	_ =	sdelay $0x2  }
0xaa: {  	v1 =	vadd.f32 v3, v1;
	_ =	sdelay $0x1  }
0xab: {  	vm8 =	vlt.f32 v1, $5.000000000e-01;
	vm7 =	veq.f32 v11, v2  }
0xac: {  	vm0 =	vmand vm7, vm8  }
0xad: {  	v3 =	vsel vm0, $0x3F800000, v0  }
0xae: {  	[tilespmem:s25+$0x4000] =	vst v3  }
0xaf: {  	v12 =	vld [tilespmem:s13+$0x1300];
	_ =	sdelay $0x2  }
0xb0: {  	v1 =	vadd.f32 v3, v1;
	_ =	sdelay $0x1  }
0xb1: {  	vm10 =	vlt.f32 v1, $5.000000000e-01;
	vm9 =	veq.f32 v12, v2  }
0xb2: {  	vm0 =	vmand vm9, vm10  }
0xb3: {  	v3 =	vsel vm0, $0x3F800000, v0  }
0xb4: {  	[tilespmem:s13+$0x5300] =	vst v3  }
0xb5: {  	v13 =	vld [tilespmem:s26+$0x0];
	_ =	sdelay $0x2  }
0xb6: {  	v1 =	vadd.f32 v3, v1;
	_ =	sdelay $0x1  }
0xb7: {  	vm12 =	vlt.f32 v1, $5.000000000e-01;
	vm11 =	veq.f32 v13, v2  }
0xb8: {  	vm0 =	vmand vm11, vm12  }
0xb9: {  	v1 =	vsel vm0, $0x3F800000, v0  }
0xba: {  	[tilespmem:s26+$0x4000] =	vst v1  }
0xbb: {  	s28 =	sor.u32 $0x1880, s14;
	v1 =	vld [tilespmem:s13+$0x1800]  }
0xbc: {  	v2 =	vld [tilespmem:s28+$0x0]  }
0xbd: {  	s29 =	sor.u32 $0x1980, s14;
	v3 =	vld [tilespmem:s13+$0x1900]  }
0xbe: {  	v14 =	vld [tilespmem:s29+$0x0]  }
0xbf: {  	s30 =	sor.u32 $0x1A80, s14;
	v15 =	vld [tilespmem:s13+$0x1A00]  }
0xc0: {  	v16 =	vld [tilespmem:s30+$0x0]  }
0xc1: {  	s31 =	sor.u32 $0x1B80, s15;
	v17 =	vld [tilespmem:s13+$0x1B00];
	v2 =	vmax.f32 v1, v2  }
0xc2: {  	v2 =	vmax.f32 v2, v3;
	v3 =	vld [tilespmem:s31+$0x0]  }
0xc3: {  	v2 =	vmax.f32 v2, v14  }
0xc4: {  	v2 =	vmax.f32 v2, v15  }
0xc5: {  	v2 =	vmax.f32 v2, v16  }
0xc6: {  	v2 =	vmax.f32 v2, v17  }
0xc7: {  	v2 =	vmax.f32 v2, v3  }
0xc8: {  	vm13 =	veq.f32 v1, v2  }
0xc9: {  	v1 =	vsel vm13, $0x3F800000, v0  }
0xca: {  	[tilespmem:s13+$0x5800] =	vst v1  }
0xcb: {  	v3 =	vld [tilespmem:s28+$0x0];
	_ =	sdelay $0x4  }
0xcc: {  	vm15 =	vlt.f32 v1, $5.000000000e-01;
	vm14 =	veq.f32 v3, v2  }
0xcd: {  	vm0 =	vmand vm14, vm15  }
0xce: {  	v3 =	vsel vm0, $0x3F800000, v0  }
0xcf: {  	[tilespmem:s28+$0x4000] =	vst v3  }
0xd0: {  	v18 =	vld [tilespmem:s13+$0x1900];
	_ =	sdelay $0x2  }
0xd1: {  	v1 =	vadd.f32 v3, v1;
	_ =	sdelay $0x1  }
0xd2: {  	vm5 =	vlt.f32 v1, $5.000000000e-01;
	vm4 =	veq.f32 v18, v2  }
0xd3: {  	vm0 =	vmand vm4, vm5  }
0xd4: {  	v3 =	vsel vm0, $0x3F800000, v0  }
0xd5: {  	[tilespmem:s13+$0x5900] =	vst v3  }
0xd6: {  	v19 =	vld [tilespmem:s29+$0x0];
	_ =	sdelay $0x2  }
0xd7: {  	v1 =	vadd.f32 v3, v1;
	_ =	sdelay $0x1  }
0xd8: {  	vm7 =	vlt.f32 v1, $5.000000000e-01;
	vm6 =	veq.f32 v19, v2  }
0xd9: {  	vm0 =	vmand vm6, vm7  }
0xda: {  	v3 =	vsel vm0, $0x3F800000, v0  }
0xdb: {  	[tilespmem:s29+$0x4000] =	vst v3  }
0xdc: {  	v20 =	vld [tilespmem:s13+$0x1A00];
	_ =	sdelay $0x2  }
0xdd: {  	v1 =	vadd.f32 v3, v1;
	_ =	sdelay $0x1  }
0xde: {  	vm9 =	vlt.f32 v1, $5.000000000e-01;
	vm8 =	veq.f32 v20, v2  }
0xdf: {  	vm0 =	vmand vm8, vm9  }
0xe0: {  	v3 =	vsel vm0, $0x3F800000, v0  }
0xe1: {  	[tilespmem:s13+$0x5A00] =	vst v3  }
0xe2: {  	v21 =	vld [tilespmem:s30+$0x0];
	_ =	sdelay $0x2  }
0xe3: {  	v1 =	vadd.f32 v3, v1;
	_ =	sdelay $0x1  }
0xe4: {  	vm11 =	vlt.f32 v1, $5.000000000e-01;
	vm10 =	veq.f32 v21, v2  }
0xe5: {  	vm0 =	vmand vm10, vm11  }
0xe6: {  	v3 =	vsel vm0, $0x3F800000, v0  }
0xe7: {  	[tilespmem:s30+$0x4000] =	vst v3  }
0xe8: {  	v22 =	vld [tilespmem:s13+$0x1B00];
	_ =	sdelay $0x2  }
0xe9: {  	v1 =	vadd.f32 v3, v1;
	_ =	sdelay $0x1  }
0xea: {  	vm13 =	vlt.f32 v1, $5.000000000e-01;
	vm12 =	veq.f32 v22, v2  }
0xeb: {  	vm0 =	vmand vm12, vm13  }
0xec: {  	v3 =	vsel vm0, $0x3F800000, v0  }
0xed: {  	[tilespmem:s13+$0x5B00] =	vst v3  }
0xee: {  	v23 =	vld [tilespmem:s31+$0x0];
	_ =	sdelay $0x2  }
0xef: {  	v1 =	vadd.f32 v3, v1;
	_ =	sdelay $0x1  }
0xf0: {  	vm15 =	vlt.f32 v1, $5.000000000e-01;
	vm14 =	veq.f32 v23, v2  }
0xf1: {  	vm0 =	vmand vm14, vm15  }
0xf2: {  	v1 =	vsel vm0, $0x3F800000, v0  }
0xf3: {  	[tilespmem:s31+$0x4000] =	vst v1  }
0xf4: {  	s17 =	sor.u32 $0x2080, s14;
	v1 =	vld [tilespmem:s13+$0x2000]  }
0xf5: {  	v2 =	vld [tilespmem:s17+$0x0]  }
0xf6: {  	s18 =	sor.u32 $0x2180, s14;
	v3 =	vld [tilespmem:s13+$0x2100]  }
0xf7: {  	v24 =	vld [tilespmem:s18+$0x0]  }
0xf8: {  	s19 =	sor.u32 $0x2280, s14;
	v25 =	vld [tilespmem:s13+$0x2200]  }
0xf9: {  	v26 =	vld [tilespmem:s19+$0x0]  }
0xfa: {  	s20 =	sor.u32 $0x2380, s15;
	v27 =	vld [tilespmem:s13+$0x2300];
	v2 =	vmax.f32 v1, v2  }
0xfb: {  	v2 =	vmax.f32 v2, v3;
	v3 =	vld [tilespmem:s20+$0x0]  }
0xfc: {  	v2 =	vmax.f32 v2, v24  }
0xfd: {  	v2 =	vmax.f32 v2, v25  }
0xfe: {  	v2 =	vmax.f32 v2, v26  }
0xff: {  	v2 =	vmax.f32 v2, v27  }
0x100: {  	v2 =	vmax.f32 v2, v3  }
0x101: {  	vm4 =	veq.f32 v1, v2  }
0x102: {  	v1 =	vsel vm4, $0x3F800000, v0  }
0x103: {  	[tilespmem:s13+$0x6000] =	vst v1  }
0x104: {  	v3 =	vld [tilespmem:s17+$0x0];
	_ =	sdelay $0x4  }
0x105: {  	vm6 =	vlt.f32 v1, $5.000000000e-01;
	vm5 =	veq.f32 v3, v2  }
0x106: {  	vm0 =	vmand vm5, vm6  }
0x107: {  	v3 =	vsel vm0, $0x3F800000, v0  }
0x108: {  	[tilespmem:s17+$0x4000] =	vst v3  }
0x109: {  	v28 =	vld [tilespmem:s13+$0x2100];
	_ =	sdelay $0x2  }
0x10a: {  	v1 =	vadd.f32 v3, v1;
	_ =	sdelay $0x1  }
0x10b: {  	vm8 =	vlt.f32 v1, $5.000000000e-01;
	vm7 =	veq.f32 v28, v2  }
0x10c: {  	vm0 =	vmand vm7, vm8  }
0x10d: {  	v3 =	vsel vm0, $0x3F800000, v0  }
0x10e: {  	[tilespmem:s13+$0x6100] =	vst v3  }
0x10f: {  	v29 =	vld [tilespmem:s18+$0x0];
	_ =	sdelay $0x2  }
0x110: {  	v1 =	vadd.f32 v3, v1;
	_ =	sdelay $0x1  }
0x111: {  	vm10 =	vlt.f32 v1, $5.000000000e-01;
	vm9 =	veq.f32 v29, v2  }
0x112: {  	vm0 =	vmand vm9, vm10  }
0x113: {  	v3 =	vsel vm0, $0x3F800000, v0  }
0x114: {  	[tilespmem:s18+$0x4000] =	vst v3  }
0x115: {  	v30 =	vld [tilespmem:s13+$0x2200];
	_ =	sdelay $0x2  }
0x116: {  	v1 =	vadd.f32 v3, v1;
	_ =	sdelay $0x1  }
0x117: {  	vm12 =	vlt.f32 v1, $5.000000000e-01;
	vm11 =	veq.f32 v30, v2  }
0x118: {  	vm0 =	vmand vm11, vm12  }
0x119: {  	v3 =	vsel vm0, $0x3F800000, v0  }
0x11a: {  	[tilespmem:s13+$0x6200] =	vst v3  }
0x11b: {  	v31 =	vld [tilespmem:s19+$0x0];
	_ =	sdelay $0x2  }
0x11c: {  	v1 =	vadd.f32 v3, v1;
	_ =	sdelay $0x1  }
0x11d: {  	vm14 =	vlt.f32 v1, $5.000000000e-01;
	vm13 =	veq.f32 v31, v2  }
0x11e: {  	vm0 =	vmand vm13, vm14  }
0x11f: {  	v3 =	vsel vm0, $0x3F800000, v0  }
0x120: {  	[tilespmem:s19+$0x4000] =	vst v3  }
0x121: {  	v32 =	vld [tilespmem:s13+$0x2300];
	_ =	sdelay $0x2  }
0x122: {  	v1 =	vadd.f32 v3, v1;
	_ =	sdelay $0x1  }
0x123: {  	vm4 =	vlt.f32 v1, $5.000000000e-01;
	vm15 =	veq.f32 v32, v2  }
0x124: {  	vm0 =	vmand vm15, vm4  }
0x125: {  	v3 =	vsel vm0, $0x3F800000, v0  }
0x126: {  	[tilespmem:s13+$0x6300] =	vst v3  }
0x127: {  	v33 =	vld [tilespmem:s20+$0x0];
	_ =	sdelay $0x2  }
0x128: {  	v1 =	vadd.f32 v3, v1;
	_ =	sdelay $0x1  }
0x129: {  	vm6 =	vlt.f32 v1, $5.000000000e-01;
	vm5 =	veq.f32 v33, v2  }
0x12a: {  	vm0 =	vmand vm5, vm6  }
0x12b: {  	v1 =	vsel vm0, $0x3F800000, v0  }
0x12c: {  	[tilespmem:s20+$0x4000] =	vst v1  }
0x12d: {  	s21 =	sor.u32 $0x2880, s14;
	v1 =	vld [tilespmem:s13+$0x2800]  }
0x12e: {  	v2 =	vld [tilespmem:s21+$0x0]  }
0x12f: {  	s22 =	sor.u32 $0x2980, s14;
	v3 =	vld [tilespmem:s13+$0x2900]  }
0x130: {  	v34 =	vld [tilespmem:s22+$0x0]  }
0x131: {  	s23 =	sor.u32 $0x2A80, s14;
	v35 =	vld [tilespmem:s13+$0x2A00]  }
0x132: {  	v36 =	vld [tilespmem:s23+$0x0]  }
0x133: {  	s24 =	sor.u32 $0x2B80, s15;
	v37 =	vld [tilespmem:s13+$0x2B00];
	v2 =	vmax.f32 v1, v2  }
0x134: {  	v2 =	vmax.f32 v2, v3;
	v3 =	vld [tilespmem:s24+$0x0]  }
0x135: {  	v2 =	vmax.f32 v2, v34  }
0x136: {  	v2 =	vmax.f32 v2, v35  }
0x137: {  	v2 =	vmax.f32 v2, v36  }
0x138: {  	v2 =	vmax.f32 v2, v37  }
0x139: {  	v2 =	vmax.f32 v2, v3  }
0x13a: {  	vm7 =	veq.f32 v1, v2  }
0x13b: {  	v1 =	vsel vm7, $0x3F800000, v0  }
0x13c: {  	[tilespmem:s13+$0x6800] =	vst v1  }
0x13d: {  	v3 =	vld [tilespmem:s21+$0x0];
	_ =	sdelay $0x4  }
0x13e: {  	vm9 =	vlt.f32 v1, $5.000000000e-01;
	vm8 =	veq.f32 v3, v2  }
0x13f: {  	vm0 =	vmand vm8, vm9  }
0x140: {  	v3 =	vsel vm0, $0x3F800000, v0  }
0x141: {  	[tilespmem:s21+$0x4000] =	vst v3  }
0x142: {  	v38 =	vld [tilespmem:s13+$0x2900];
	_ =	sdelay $0x2  }
0x143: {  	v1 =	vadd.f32 v3, v1;
	_ =	sdelay $0x1  }
0x144: {  	vm11 =	vlt.f32 v1, $5.000000000e-01;
	vm10 =	veq.f32 v38, v2  }
0x145: {  	vm0 =	vmand vm10, vm11  }
0x146: {  	v3 =	vsel vm0, $0x3F800000, v0  }
0x147: {  	[tilespmem:s13+$0x6900] =	vst v3  }
0x148: {  	v39 =	vld [tilespmem:s22+$0x0];
	_ =	sdelay $0x2  }
0x149: {  	v1 =	vadd.f32 v3, v1;
	_ =	sdelay $0x1  }
0x14a: {  	vm13 =	vlt.f32 v1, $5.000000000e-01;
	vm12 =	veq.f32 v39, v2  }
0x14b: {  	vm0 =	vmand vm12, vm13  }
0x14c: {  	v3 =	vsel vm0, $0x3F800000, v0  }
0x14d: {  	[tilespmem:s22+$0x4000] =	vst v3  }
0x14e: {  	v40 =	vld [tilespmem:s13+$0x2A00];
	_ =	sdelay $0x2  }
0x14f: {  	v1 =	vadd.f32 v3, v1;
	_ =	sdelay $0x1  }
0x150: {  	vm15 =	vlt.f32 v1, $5.000000000e-01;
	vm14 =	veq.f32 v40, v2  }
0x151: {  	vm0 =	vmand vm14, vm15  }
0x152: {  	v3 =	vsel vm0, $0x3F800000, v0  }
0x153: {  	[tilespmem:s13+$0x6A00] =	vst v3  }
0x154: {  	v41 =	vld [tilespmem:s23+$0x0];
	_ =	sdelay $0x2  }
0x155: {  	v1 =	vadd.f32 v3, v1;
	_ =	sdelay $0x1  }
0x156: {  	vm5 =	vlt.f32 v1, $5.000000000e-01;
	vm4 =	veq.f32 v41, v2  }
0x157: {  	vm0 =	vmand vm4, vm5  }
0x158: {  	v3 =	vsel vm0, $0x3F800000, v0  }
0x159: {  	[tilespmem:s23+$0x4000] =	vst v3  }
0x15a: {  	v42 =	vld [tilespmem:s13+$0x2B00];
	_ =	sdelay $0x2  }
0x15b: {  	v1 =	vadd.f32 v3, v1;
	_ =	sdelay $0x1  }
0x15c: {  	vm7 =	vlt.f32 v1, $5.000000000e-01;
	vm6 =	veq.f32 v42, v2  }
0x15d: {  	vm0 =	vmand vm6, vm7  }
0x15e: {  	v3 =	vsel vm0, $0x3F800000, v0  }
0x15f: {  	[tilespmem:s13+$0x6B00] =	vst v3  }
0x160: {  	v43 =	vld [tilespmem:s24+$0x0];
	_ =	sdelay $0x2  }
0x161: {  	v1 =	vadd.f32 v3, v1;
	_ =	sdelay $0x1  }
0x162: {  	vm9 =	vlt.f32 v1, $5.000000000e-01;
	vm8 =	veq.f32 v43, v2  }
0x163: {  	vm0 =	vmand vm8, vm9  }
0x164: {  	v1 =	vsel vm0, $0x3F800000, v0  }
0x165: {  	[tilespmem:s24+$0x4000] =	vst v1  }
0x166: {  	s25 =	sor.u32 $0x3080, s14;
	v1 =	vld [tilespmem:s13+$0x3000]  }
0x167: {  	v2 =	vld [tilespmem:s25+$0x0]  }
0x168: {  	s26 =	sor.u32 $0x3180, s14;
	v3 =	vld [tilespmem:s13+$0x3100]  }
0x169: {  	v44 =	vld [tilespmem:s26+$0x0]  }
0x16a: {  	s28 =	sor.u32 $0x3280, s14;
	v45 =	vld [tilespmem:s13+$0x3200]  }
0x16b: {  	v46 =	vld [tilespmem:s28+$0x0]  }
0x16c: {  	s29 =	sor.u32 $0x3380, s15;
	v47 =	vld [tilespmem:s13+$0x3300];
	v2 =	vmax.f32 v1, v2  }
0x16d: {  	v2 =	vmax.f32 v2, v3;
	v3 =	vld [tilespmem:s29+$0x0]  }
0x16e: {  	v2 =	vmax.f32 v2, v44  }
0x16f: {  	v2 =	vmax.f32 v2, v45  }
0x170: {  	v2 =	vmax.f32 v2, v46  }
0x171: {  	v2 =	vmax.f32 v2, v47  }
0x172: {  	v2 =	vmax.f32 v2, v3  }
0x173: {  	vm10 =	veq.f32 v1, v2  }
0x174: {  	v1 =	vsel vm10, $0x3F800000, v0  }
0x175: {  	[tilespmem:s13+$0x7000] =	vst v1  }
0x176: {  	v3 =	vld [tilespmem:s25+$0x0];
	_ =	sdelay $0x4  }
0x177: {  	vm12 =	vlt.f32 v1, $5.000000000e-01;
	vm11 =	veq.f32 v3, v2  }
0x178: {  	vm0 =	vmand vm11, vm12  }
0x179: {  	v3 =	vsel vm0, $0x3F800000, v0  }
0x17a: {  	[tilespmem:s25+$0x4000] =	vst v3  }
0x17b: {  	v48 =	vld [tilespmem:s13+$0x3100];
	_ =	sdelay $0x2  }
0x17c: {  	v1 =	vadd.f32 v3, v1;
	_ =	sdelay $0x1  }
0x17d: {  	vm14 =	vlt.f32 v1, $5.000000000e-01;
	vm13 =	veq.f32 v48, v2  }
0x17e: {  	vm0 =	vmand vm13, vm14  }
0x17f: {  	v3 =	vsel vm0, $0x3F800000, v0  }
0x180: {  	[tilespmem:s13+$0x7100] =	vst v3  }
0x181: {  	v49 =	vld [tilespmem:s26+$0x0];
	_ =	sdelay $0x2  }
0x182: {  	v1 =	vadd.f32 v3, v1;
	_ =	sdelay $0x1  }
0x183: {  	vm4 =	vlt.f32 v1, $5.000000000e-01;
	vm15 =	veq.f32 v49, v2  }
0x184: {  	vm0 =	vmand vm15, vm4  }
0x185: {  	v3 =	vsel vm0, $0x3F800000, v0  }
0x186: {  	[tilespmem:s26+$0x4000] =	vst v3  }
0x187: {  	v50 =	vld [tilespmem:s13+$0x3200];
	_ =	sdelay $0x2  }
0x188: {  	v1 =	vadd.f32 v3, v1;
	_ =	sdelay $0x1  }
0x189: {  	vm6 =	vlt.f32 v1, $5.000000000e-01;
	vm5 =	veq.f32 v50, v2  }
0x18a: {  	vm0 =	vmand vm5, vm6  }
0x18b: {  	v3 =	vsel vm0, $0x3F800000, v0  }
0x18c: {  	[tilespmem:s13+$0x7200] =	vst v3  }
0x18d: {  	v51 =	vld [tilespmem:s28+$0x0];
	_ =	sdelay $0x2  }
0x18e: {  	v1 =	vadd.f32 v3, v1;
	_ =	sdelay $0x1  }
0x18f: {  	vm8 =	vlt.f32 v1, $5.000000000e-01;
	vm7 =	veq.f32 v51, v2  }
0x190: {  	vm0 =	vmand vm7, vm8  }
0x191: {  	v3 =	vsel vm0, $0x3F800000, v0  }
0x192: {  	[tilespmem:s28+$0x4000] =	vst v3  }
0x193: {  	v52 =	vld [tilespmem:s13+$0x3300];
	_ =	sdelay $0x2  }
0x194: {  	v1 =	vadd.f32 v3, v1;
	_ =	sdelay $0x1  }
0x195: {  	vm10 =	vlt.f32 v1, $5.000000000e-01;
	vm9 =	veq.f32 v52, v2  }
0x196: {  	vm0 =	vmand vm9, vm10  }
0x197: {  	v3 =	vsel vm0, $0x3F800000, v0  }
0x198: {  	[tilespmem:s13+$0x7300] =	vst v3  }
0x199: {  	v53 =	vld [tilespmem:s29+$0x0];
	_ =	sdelay $0x2  }
0x19a: {  	v1 =	vadd.f32 v3, v1;
	_ =	sdelay $0x1  }
0x19b: {  	vm12 =	vlt.f32 v1, $5.000000000e-01;
	vm11 =	veq.f32 v53, v2  }
0x19c: {  	vm0 =	vmand vm11, vm12  }
0x19d: {  	v1 =	vsel vm0, $0x3F800000, v0  }
0x19e: {  	[tilespmem:s29+$0x4000] =	vst v1  }
0x19f: {  	s30 =	sor.u32 $0x3880, s14;
	v1 =	vld [tilespmem:s13+$0x3800]  }
0x1a0: {  	v2 =	vld [tilespmem:s30+$0x0]  }
0x1a1: {  	s31 =	sor.u32 $0x3980, s14;
	v3 =	vld [tilespmem:s13+$0x3900]  }
0x1a2: {  	v54 =	vld [tilespmem:s31+$0x0]  }
0x1a3: {  	s14 =	sor.u32 $0x3A80, s14;
	v55 =	vld [tilespmem:s13+$0x3A00]  }
0x1a4: {  	v56 =	vld [tilespmem:s14+$0x0]  }
0x1a5: {  	s15 =	sor.u32 $0x3B80, s15;
	v57 =	vld [tilespmem:s13+$0x3B00];
	v2 =	vmax.f32 v1, v2  }
0x1a6: {  	v2 =	vmax.f32 v2, v3;
	v3 =	vld [tilespmem:s15+$0x0]  }
0x1a7: {  	v2 =	vmax.f32 v2, v54  }
0x1a8: {  	v2 =	vmax.f32 v2, v55  }
0x1a9: {  	v2 =	vmax.f32 v2, v56  }
0x1aa: {  	v2 =	vmax.f32 v2, v57  }
0x1ab: {  	v2 =	vmax.f32 v2, v3  }
0x1ac: {  	vm13 =	veq.f32 v1, v2  }
0x1ad: {  	v1 =	vsel vm13, $0x3F800000, v0  }
0x1ae: {  	[tilespmem:s13+$0x7800] =	vst v1  }
0x1af: {  	v3 =	vld [tilespmem:s30+$0x0];
	_ =	sdelay $0x4  }
0x1b0: {  	vm15 =	vlt.f32 v1, $5.000000000e-01;
	vm14 =	veq.f32 v3, v2  }
0x1b1: {  	vm0 =	vmand vm14, vm15  }
0x1b2: {  	v3 =	vsel vm0, $0x3F800000, v0  }
0x1b3: {  	[tilespmem:s30+$0x4000] =	vst v3  }
0x1b4: {  	v58 =	vld [tilespmem:s13+$0x3900];
	_ =	sdelay $0x2  }
0x1b5: {  	v1 =	vadd.f32 v3, v1;
	_ =	sdelay $0x1  }
0x1b6: {  	vm5 =	vlt.f32 v1, $5.000000000e-01;
	vm4 =	veq.f32 v58, v2  }
0x1b7: {  	vm0 =	vmand vm4, vm5  }
0x1b8: {  	v3 =	vsel vm0, $0x3F800000, v0  }
0x1b9: {  	[tilespmem:s13+$0x7900] =	vst v3  }
0x1ba: {  	v59 =	vld [tilespmem:s31+$0x0];
	_ =	sdelay $0x2  }
0x1bb: {  	v1 =	vadd.f32 v3, v1;
	_ =	sdelay $0x1  }
0x1bc: {  	vm7 =	vlt.f32 v1, $5.000000000e-01;
	vm6 =	veq.f32 v59, v2  }
0x1bd: {  	vm0 =	vmand vm6, vm7  }
0x1be: {  	v3 =	vsel vm0, $0x3F800000, v0  }
0x1bf: {  	[tilespmem:s31+$0x4000] =	vst v3  }
0x1c0: {  	v60 =	vld [tilespmem:s13+$0x3A00];
	_ =	sdelay $0x2  }
0x1c1: {  	v1 =	vadd.f32 v3, v1;
	_ =	sdelay $0x1  }
0x1c2: {  	vm9 =	vlt.f32 v1, $5.000000000e-01;
	vm8 =	veq.f32 v60, v2  }
0x1c3: {  	vm0 =	vmand vm8, vm9  }
0x1c4: {  	v3 =	vsel vm0, $0x3F800000, v0  }
0x1c5: {  	[tilespmem:s13+$0x7A00] =	vst v3  }
0x1c6: {  	v61 =	vld [tilespmem:s14+$0x0];
	_ =	sdelay $0x2  }
0x1c7: {  	v1 =	vadd.f32 v3, v1;
	_ =	sdelay $0x1  }
0x1c8: {  	vm11 =	vlt.f32 v1, $5.000000000e-01;
	vm10 =	veq.f32 v61, v2  }
0x1c9: {  	vm0 =	vmand vm10, vm11  }
0x1ca: {  	v3 =	vsel vm0, $0x3F800000, v0  }
0x1cb: {  	[tilespmem:s14+$0x4000] =	vst v3  }
0x1cc: {  	v62 =	vld [tilespmem:s13+$0x3B00];
	_ =	sdelay $0x2  }
0x1cd: {  	v1 =	vadd.f32 v3, v1;
	_ =	sdelay $0x1  }
0x1ce: {  	vm13 =	vlt.f32 v1, $5.000000000e-01;
	vm12 =	veq.f32 v62, v2  }
0x1cf: {  	vm0 =	vmand vm12, vm13  }
0x1d0: {  	v3 =	vsel vm0, $0x3F800000, v0  }
0x1d1: {  	[tilespmem:s13+$0x7B00] =	vst v3  }
0x1d2: {  	v63 =	vld [tilespmem:s15+$0x0];
	_ =	sdelay $0x2  }
0x1d3: {  	p0 =	sne.s32 s12, $0xF0;
	v1 =	vadd.f32 v3, v1  }
.Ltmp0:
0x1d4: {  	_ = 	snop;
	(pc) =	sbr.rel @p0 .LBB2_2-.Ltmp0, $4  }
0x1d5: {  	vm15 =	vlt.f32 v1, $5.000000000e-01;
	vm14 =	veq.f32 v63, v2  }
0x1d6: {  	vm0 =	vmand vm14, vm15  }
0x1d7: {  	v1 =	vsel vm0, $0x3F800000, v0  }
0x1d8: {  	s11 =	sadd.s32 $0x80, s11;
	s12 =	sadd.s32 $0x10, s12;
	[tilespmem:s15+$0x4000] =	vst v1  }
0x1d9: {  	s10 =	sadd.s32 $0x1, s10  }
0x1da: {  	p0 =	sne.s32 s10, s5  }
.Ltmp1:
0x1db: {  	_ = 	snop;
	(pc) =	sbr.rel @p0 .LBB2_1-.Ltmp1, $4  }
0x1dc: {  	[hbm4b:s4+s6] =	stream.strided.scatter [tilespmem:s9], [sflag:$0x1], $0x4000, s7, s6, $0x38;
	[tilespmem:$0x8000] =	vst v63  }
0x1dd: {  	_ =	swait.ge [sflag:s8], $0x4000  }
0x1de: {  	[sflag:s8] =	ssyncset.done $0x0  }
0x1df: {  	[sflag:s8] =	ssyncadd.s32 $0xFFFFC000  }
0x1e0: {  	_ =	sfence.sel $0x180000  }
0x1e1: {  	[bflag:$0x0] =	sbarrier.arrive $0xFFFF  }
0x1e2: {  	p0 =	sne.s32 s1, $0x0;
	_ =	strace $0x90000047  }
0x1e3: {  	s0 =	sadd.s32 @!p0 $0x100000, s0;
	[bflag:$0x2] =	sbarrier.arrive $0xFFFF  }
0x1e4: {  	[sflag:s0] =	ssyncadd.tile.s32 @!p0 $0x1;
	_ =	shalt  }
.Lfunc_end2:
_tile_overlayer_lowered:
.L_overlay_start_2:
0x1e5: {  	(tag) =	ssettag $0x2  }
0x1e6: {  	s0 =	rddreg [dreg:$0x0];
	s2 =	stileid.u32  }
0x1e7: {  	s1 =	rddreg [dreg:$0x1];
	p0 =	sne.s32 s2, $0x0  }
0x1e8: {  	s3 =	rddreg [dreg:$0x2];
	[bflag:$0x3] =	sbarrier.arrive $0xFFFF;
	s2 =	simm.s32 @!p0 $0x1C01  }
0x1e9: {  	[timem:s3], [sflag:s2] =	dma.local @!p0 [hbm:s0], s1  }
0x1ea: {  	s0 =	simm.s32 @!p0 $0x1  }
0x1eb: {  	_ =	swait.ge @!p0 [sflag:s0], s1  }
0x1ec: {  	s1 =	ssub.s32 @!p0 $0x0, s1;
	[sflag:s0] =	ssyncset.done @!p0 $0x0  }
0x1ed: {  	[sflag:s0] =	ssyncadd.s32 @!p0 s1  }
0x1ee: {  	[bflag:$0x3] =	sbarrier.arrive $0xFFFF  }
0x1ef: {  	_ =	shalt  }

</sc_bundles>
